<compile_context>
chip_gen: v7x
topology: tpu7x:2x2x1
jax: 0.10.2.dev20260603
libtpu: 0.0.44.dev20260713+nightly
codegen_flags: <defaults>
</compile_context>

<pallas_src>
import functools

import jax
import jax.numpy as jnp
from jax import lax
from jax.experimental import pallas as pl
from jax.experimental.pallas import tpu as pltpu
from jax.experimental.pallas import tpu_sc as plsc

_BLK = 128


def _sc_gather(x, idx_all):
    n, d = x.shape
    m = idx_all.shape[0]
    info = plsc.get_sparse_core_info()
    nw = info.num_cores * info.num_subcores
    per_w = m // nw
    chunk = 128
    nchunks = per_w // chunk
    mesh = plsc.VectorSubcoreMesh(core_axis_name="c", subcore_axis_name="s")

    @functools.partial(
        pl.kernel,
        mesh=mesh,
        out_type=jax.ShapeDtypeStruct((m, d), jnp.float32),
        scratch_types=[
            pltpu.VMEM((per_w,), jnp.int32),
            pltpu.VMEM((per_w, d), jnp.float32),
            pltpu.SemaphoreType.DMA,
        ],
    )
    def k(x_hbm, idx_hbm, out_hbm, idx_v, rows_v, sem):
        wid = lax.axis_index("s") * info.num_cores + lax.axis_index("c")
        base = wid * per_w
        pltpu.sync_copy(idx_hbm.at[pl.ds(base, per_w)], idx_v)
        copies = []
        for j in range(nchunks):
            copies.append(
                pltpu.async_copy(
                    x_hbm.at[idx_v.at[pl.ds(j * chunk, chunk)]],
                    rows_v.at[pl.ds(j * chunk, chunk)],
                    sem,
                )
            )
        for c in copies:
            c.wait()
        pltpu.sync_copy(rows_v, out_hbm.at[pl.ds(base, per_w)])

    return k(x, idx_all)


_WCHUNK = 25
_NQ = 4


def _tc_score_body(et_smem, s_ref, o_ref, et_ref, w_hbm, out_ref,
                   w_vmem, sem, cnt_smem):
    i = pl.program_id(0)
    blk = s_ref.shape[0]
    nrel = w_vmem.shape[0]
    nchunks = nrel // _WCHUNK

    @pl.when(i == 0)
    def _issue():
        cnt_smem[0] = 0
        for c in range(nchunks):
            pltpu.make_async_copy(
                w_hbm.at[pl.ds(c * _WCHUNK, _WCHUNK)],
                w_vmem.at[pl.ds(c * _WCHUNK, _WCHUNK)],
                sem.at[c % _NQ],
            ).start()

    t0 = et_smem[i * blk]
    t1 = et_smem[i * blk + blk - 1]
    need = t1 // _WCHUNK + 1

    def wait_body(c):
        pltpu.make_async_copy(
            w_hbm.at[pl.ds(0, _WCHUNK)],
            w_vmem.at[pl.ds(0, _WCHUNK)],
            sem.at[lax.rem(c, _NQ)],
        ).wait()
        return c + 1

    cnt_smem[0] = lax.while_loop(lambda c: c < need, wait_body, cnt_smem[0])

    s = s_ref[...]
    o = o_ref[...]
    et = et_ref[...]
    etb = jnp.broadcast_to(et, s.shape)
    sb = s.astype(jnp.bfloat16)

    nrel = w_vmem.shape[0]
    unroll = 16

    def body(k, acc):
        tb = t0 + k * unroll
        for j in range(unroll):
            t = tb + j
            tc = jnp.minimum(t, nrel - 1)
            r = w_vmem[tc].astype(jnp.bfloat16)
            y = jnp.dot(sb, r, preferred_element_type=jnp.float32)
            acc = jnp.where(etb == t, y, acc)
        return acc

    ntrip = (t1 - t0) // unroll + 1
    acc = lax.fori_loop(0, ntrip, body, jnp.zeros_like(s))
    ns = jnp.sum(s * s, axis=1, keepdims=True)
    no = jnp.sum(o * o, axis=1, keepdims=True)
    out_ref[...] = jnp.sum(acc * o, axis=1, keepdims=True) * lax.rsqrt(ns * no)


def _tc_score(rows, et_sorted, et_col, weights):
    m2, d = rows.shape
    m = m2 // 2
    nrel = weights.shape[0]
    nblk = m // _BLK
    grid_spec = pltpu.PrefetchScalarGridSpec(
        num_scalar_prefetch=1,
        grid=(nblk,),
        in_specs=[
            pl.BlockSpec((_BLK, d), lambda i, et: (i, 0)),
            pl.BlockSpec((_BLK, d), lambda i, et, n=nblk: (i + n, 0)),
            pl.BlockSpec((_BLK, 1), lambda i, et: (i, 0)),
            pl.BlockSpec(memory_space=pltpu.HBM),
        ],
        out_specs=pl.BlockSpec((_BLK, 1), lambda i, et: (i, 0)),
        scratch_shapes=[
            pltpu.VMEM((nrel, d, d), jnp.float32),
            pltpu.SemaphoreType.DMA((_NQ,)),
            pltpu.SMEM((1,), jnp.int32),
        ],
    )
    return pl.pallas_call(
        _tc_score_body,
        grid_spec=grid_spec,
        out_shape=jax.ShapeDtypeStruct((m, 1), jnp.float32),
    )(et_sorted, rows, rows, et_col, weights)


def kernel(x, edge_index, edge_type, weights):
    m = edge_type.shape[0]
    d = x.shape[1]
    perm = jnp.argsort(edge_type)
    inv_perm = jnp.argsort(perm)
    et_sorted = edge_type[perm].astype(jnp.int32)
    idx_all = jnp.concatenate(
        [edge_index[0][perm], edge_index[1][perm]]
    ).astype(jnp.int32)

    rows = _sc_gather(x, idx_all)

    et_col = et_sorted[:, None]
    scores = _tc_score(rows, et_sorted, et_col, weights)
    return scores[:, 0][inv_perm]

# --- scband reference (transcript-rebuilt; emitter-appended) ---
"""Pipeline reference for scband-rescal-22290880266444 (READ-ONLY COPY).

The authoritative reference and input builder live on the scoring server;
editing this copy changes nothing except your own understanding.
"""

import jax, jax.numpy as jnp
import numpy as np


def setup_inputs(seed: int = 0) -> dict:
    key = jax.random.key(seed)
    k1, k2, k3, k4 = jax.random.split(key, 4)
    x = jax.random.normal(k1, (100000, 128), dtype=jnp.float32)
    edge_index = jax.random.randint(k2, (2, 8192), 0, 100000)
    edge_type = jax.random.randint(k3, (8192,), 0, 500)
    # RESCAL relation weights: jax.nn.initializers.normal() default stddev = 1e-2
    weights = jax.random.normal(k4, (500, 128, 128), dtype=jnp.float32) * 1e-2
    return {"x": x, "edge_index": edge_index, "edge_type": edge_type, "weights": weights}


def reference(x, edge_index, edge_type, weights):
    n_channels = 128
    s = x[edge_index[0, :]]
    s = s / jnp.linalg.norm(s, axis=1, keepdims=True)
    o = x[edge_index[1, :]]
    o = o / jnp.linalg.norm(o, axis=1, keepdims=True)
    r = weights[edge_type]
    out = (s.reshape(-1, n_channels, 1) * jnp.matmul(r.reshape(-1, n_channels, n_channels), o.reshape(-1, n_channels, 1))).sum(axis=1).reshape(-1)
    return out

if __name__ == "__main__":
    import jax
    _d = setup_inputs()
    print(jax.jit(kernel)(*tuple(_d.values())))

</pallas_src>

<mosaic_0001>
#map = affine_map<(d0, d1) -> (0, 0)>
#map1 = affine_map<(d0, d1) -> (0)>
module attributes {stable_mosaic.version = 14 : i64} {
  func.func @k(%arg0: i32, %arg1: i32, %arg2: memref<100000x128xf32, #tpu.memory_space<hbm>>, %arg3: memref<16384xi32, #tpu.memory_space<hbm>>, %arg4: memref<16384x128xf32, #tpu.memory_space<hbm>>, %arg5: memref<512xi32, #tpu.memory_space<vmem>>, %arg6: memref<512x128xf32, #tpu.memory_space<vmem>>, %arg7: memref<!tpu.dma_semaphore, #tpu.memory_space<semaphore_mem>>) attributes {dimension_semantics = [#tpu.dimension_semantics<core_parallel>, #tpu.dimension_semantics<subcore_parallel>], iteration_bounds = array<i64: 2, 16>, scalar_prefetch = 0 : i64, scratch_operands = 3 : i64, tpu.core_type = #tpu.core_type<sc_vector_subcore>, window_params = [{transform_indices = #map}, {transform_indices = #map1}, {transform_indices = #map}]} {
    %mul3A = arith.constant 2 : i32
    %mul3A_0 = arith.muli %arg1, %mul3A : i32
    %add3A = arith.addi %mul3A_0, %arg0 : i32
    %mul3A_1 = arith.constant 512 : i32
    %mul3A_2 = arith.muli %add3A, %mul3A_1 : i32
    "tpu.region"() ({
      %run_scoped3A = tpu.sem_alloc : memref<!tpu.dma_semaphore, #tpu.memory_space<semaphore_mem>>
      %dma_start3A_65 = tpu.memref_slice %arg3[%mul3A_2] : memref<16384xi32, #tpu.memory_space<hbm>> -> memref<512xi32, #tpu.memory_space<hbm>>
      %dma_start3A_66 = tpu.memref_slice %arg3[%mul3A_2] : memref<16384xi32, #tpu.memory_space<hbm>> -> memref<512xi32, #tpu.memory_space<hbm>>
      tpu.enqueue_dma source(%dma_start3A_66 : memref<512xi32, #tpu.memory_space<hbm>>) target(%arg5 : memref<512xi32, #tpu.memory_space<vmem>>) target_semaphore(%run_scoped3A : memref<!tpu.dma_semaphore, #tpu.memory_space<semaphore_mem>>)
      %dma_wait3A_67 = tpu.memref_slice %arg3[%mul3A_2] : memref<16384xi32, #tpu.memory_space<hbm>> -> memref<512xi32, #tpu.memory_space<hbm>>
      %dma_wait3A_68 = tpu.memref_slice %arg3[%mul3A_2] : memref<16384xi32, #tpu.memory_space<hbm>> -> memref<512xi32, #tpu.memory_space<hbm>>
      tpu.wait_dma2 semaphore(%run_scoped3A : memref<!tpu.dma_semaphore, #tpu.memory_space<semaphore_mem>>) src(%dma_wait3A_68 : memref<512xi32, #tpu.memory_space<hbm>>) dst(%arg5 : memref<512xi32, #tpu.memory_space<vmem>>)
      tpu.yield
    }) : () -> ()
    %dma_start3A = arith.constant 0 : i32
    %dma_start3A_3 = arith.constant 0 : i32
    %dma_start3A_4 = tpu.memref_slice %arg6[%dma_start3A, %dma_start3A_3] : memref<512x128xf32, #tpu.memory_space<vmem>> -> memref<128x128xf32, #tpu.memory_space<vmem>>
    %dma_start3A_5 = arith.constant 0 : i32
    %dma_start3A_6 = tpu.memref_slice %arg5[%dma_start3A_5] : memref<512xi32, #tpu.memory_space<vmem>> -> memref<128xi32, #tpu.memory_space<vmem>>
    %dma_start3A_7 = arith.constant 0 : i32
    %dma_start3A_8 = arith.constant 0 : i32
    %dma_start3A_9 = tpu.memref_slice %arg2[%dma_start3A_7, %dma_start3A_8] : memref<100000x128xf32, #tpu.memory_space<hbm>> -> memref<100000x128xf32, #tpu.memory_space<hbm>>
    tpu.enqueue_indirect_dma source(%dma_start3A_9 : memref<100000x128xf32, #tpu.memory_space<hbm>>) target(%dma_start3A_4 : memref<128x128xf32, #tpu.memory_space<vmem>>) offsets(%dma_start3A_6 : memref<128xi32, #tpu.memory_space<vmem>>) semaphore(%arg7 : memref<!tpu.dma_semaphore, #tpu.memory_space<semaphore_mem>>)
    %dma_start3A_10 = arith.constant 128 : i32
    %dma_start3A_11 = arith.constant 0 : i32
    %dma_start3A_12 = tpu.memref_slice %arg6[%dma_start3A_10, %dma_start3A_11] : memref<512x128xf32, #tpu.memory_space<vmem>> -> memref<128x128xf32, #tpu.memory_space<vmem>>
    %dma_start3A_13 = arith.constant 128 : i32
    %dma_start3A_14 = tpu.memref_slice %arg5[%dma_start3A_13] : memref<512xi32, #tpu.memory_space<vmem>> -> memref<128xi32, #tpu.memory_space<vmem>>
    %dma_start3A_15 = arith.constant 0 : i32
    %dma_start3A_16 = arith.constant 0 : i32
    %dma_start3A_17 = tpu.memref_slice %arg2[%dma_start3A_15, %dma_start3A_16] : memref<100000x128xf32, #tpu.memory_space<hbm>> -> memref<100000x128xf32, #tpu.memory_space<hbm>>
    tpu.enqueue_indirect_dma source(%dma_start3A_17 : memref<100000x128xf32, #tpu.memory_space<hbm>>) target(%dma_start3A_12 : memref<128x128xf32, #tpu.memory_space<vmem>>) offsets(%dma_start3A_14 : memref<128xi32, #tpu.memory_space<vmem>>) semaphore(%arg7 : memref<!tpu.dma_semaphore, #tpu.memory_space<semaphore_mem>>)
    %dma_start3A_18 = arith.constant 256 : i32
    %dma_start3A_19 = arith.constant 0 : i32
    %dma_start3A_20 = tpu.memref_slice %arg6[%dma_start3A_18, %dma_start3A_19] : memref<512x128xf32, #tpu.memory_space<vmem>> -> memref<128x128xf32, #tpu.memory_space<vmem>>
    %dma_start3A_21 = arith.constant 256 : i32
    %dma_start3A_22 = tpu.memref_slice %arg5[%dma_start3A_21] : memref<512xi32, #tpu.memory_space<vmem>> -> memref<128xi32, #tpu.memory_space<vmem>>
    %dma_start3A_23 = arith.constant 0 : i32
    %dma_start3A_24 = arith.constant 0 : i32
    %dma_start3A_25 = tpu.memref_slice %arg2[%dma_start3A_23, %dma_start3A_24] : memref<100000x128xf32, #tpu.memory_space<hbm>> -> memref<100000x128xf32, #tpu.memory_space<hbm>>
    tpu.enqueue_indirect_dma source(%dma_start3A_25 : memref<100000x128xf32, #tpu.memory_space<hbm>>) target(%dma_start3A_20 : memref<128x128xf32, #tpu.memory_space<vmem>>) offsets(%dma_start3A_22 : memref<128xi32, #tpu.memory_space<vmem>>) semaphore(%arg7 : memref<!tpu.dma_semaphore, #tpu.memory_space<semaphore_mem>>)
    %dma_start3A_26 = arith.constant 384 : i32
    %dma_start3A_27 = arith.constant 0 : i32
    %dma_start3A_28 = tpu.memref_slice %arg6[%dma_start3A_26, %dma_start3A_27] : memref<512x128xf32, #tpu.memory_space<vmem>> -> memref<128x128xf32, #tpu.memory_space<vmem>>
    %dma_start3A_29 = arith.constant 384 : i32
    %dma_start3A_30 = tpu.memref_slice %arg5[%dma_start3A_29] : memref<512xi32, #tpu.memory_space<vmem>> -> memref<128xi32, #tpu.memory_space<vmem>>
    %dma_start3A_31 = arith.constant 0 : i32
    %dma_start3A_32 = arith.constant 0 : i32
    %dma_start3A_33 = tpu.memref_slice %arg2[%dma_start3A_31, %dma_start3A_32] : memref<100000x128xf32, #tpu.memory_space<hbm>> -> memref<100000x128xf32, #tpu.memory_space<hbm>>
    tpu.enqueue_indirect_dma source(%dma_start3A_33 : memref<100000x128xf32, #tpu.memory_space<hbm>>) target(%dma_start3A_28 : memref<128x128xf32, #tpu.memory_space<vmem>>) offsets(%dma_start3A_30 : memref<128xi32, #tpu.memory_space<vmem>>) semaphore(%arg7 : memref<!tpu.dma_semaphore, #tpu.memory_space<semaphore_mem>>)
    %dma_wait3A = arith.constant 0 : i32
    %dma_wait3A_34 = arith.constant 0 : i32
    %dma_wait3A_35 = tpu.memref_slice %arg6[%dma_wait3A, %dma_wait3A_34] : memref<512x128xf32, #tpu.memory_space<vmem>> -> memref<128x128xf32, #tpu.memory_space<vmem>>
    %dma_wait3A_36 = arith.constant 0 : i32
    %dma_wait3A_37 = tpu.memref_slice %arg5[%dma_wait3A_36] : memref<512xi32, #tpu.memory_space<vmem>> -> memref<128xi32, #tpu.memory_space<vmem>>
    %dma_wait3A_38 = arith.constant 0 : i32
    %dma_wait3A_39 = arith.constant 0 : i32
    %dma_wait3A_40 = tpu.memref_slice %arg2[%dma_wait3A_38, %dma_wait3A_39] : memref<100000x128xf32, #tpu.memory_space<hbm>> -> memref<100000x128xf32, #tpu.memory_space<hbm>>
    tpu.wait_indirect_dma semaphore(%arg7 : memref<!tpu.dma_semaphore, #tpu.memory_space<semaphore_mem>>) src(%dma_wait3A_40 : memref<100000x128xf32, #tpu.memory_space<hbm>>) dst(%dma_wait3A_35 : memref<128x128xf32, #tpu.memory_space<vmem>>)
    %dma_wait3A_41 = arith.constant 128 : i32
    %dma_wait3A_42 = arith.constant 0 : i32
    %dma_wait3A_43 = tpu.memref_slice %arg6[%dma_wait3A_41, %dma_wait3A_42] : memref<512x128xf32, #tpu.memory_space<vmem>> -> memref<128x128xf32, #tpu.memory_space<vmem>>
    %dma_wait3A_44 = arith.constant 128 : i32
    %dma_wait3A_45 = tpu.memref_slice %arg5[%dma_wait3A_44] : memref<512xi32, #tpu.memory_space<vmem>> -> memref<128xi32, #tpu.memory_space<vmem>>
    %dma_wait3A_46 = arith.constant 0 : i32
    %dma_wait3A_47 = arith.constant 0 : i32
    %dma_wait3A_48 = tpu.memref_slice %arg2[%dma_wait3A_46, %dma_wait3A_47] : memref<100000x128xf32, #tpu.memory_space<hbm>> -> memref<100000x128xf32, #tpu.memory_space<hbm>>
    tpu.wait_indirect_dma semaphore(%arg7 : memref<!tpu.dma_semaphore, #tpu.memory_space<semaphore_mem>>) src(%dma_wait3A_48 : memref<100000x128xf32, #tpu.memory_space<hbm>>) dst(%dma_wait3A_43 : memref<128x128xf32, #tpu.memory_space<vmem>>)
    %dma_wait3A_49 = arith.constant 256 : i32
    %dma_wait3A_50 = arith.constant 0 : i32
    %dma_wait3A_51 = tpu.memref_slice %arg6[%dma_wait3A_49, %dma_wait3A_50] : memref<512x128xf32, #tpu.memory_space<vmem>> -> memref<128x128xf32, #tpu.memory_space<vmem>>
    %dma_wait3A_52 = arith.constant 256 : i32
    %dma_wait3A_53 = tpu.memref_slice %arg5[%dma_wait3A_52] : memref<512xi32, #tpu.memory_space<vmem>> -> memref<128xi32, #tpu.memory_space<vmem>>
    %dma_wait3A_54 = arith.constant 0 : i32
    %dma_wait3A_55 = arith.constant 0 : i32
    %dma_wait3A_56 = tpu.memref_slice %arg2[%dma_wait3A_54, %dma_wait3A_55] : memref<100000x128xf32, #tpu.memory_space<hbm>> -> memref<100000x128xf32, #tpu.memory_space<hbm>>
    tpu.wait_indirect_dma semaphore(%arg7 : memref<!tpu.dma_semaphore, #tpu.memory_space<semaphore_mem>>) src(%dma_wait3A_56 : memref<100000x128xf32, #tpu.memory_space<hbm>>) dst(%dma_wait3A_51 : memref<128x128xf32, #tpu.memory_space<vmem>>)
    %dma_wait3A_57 = arith.constant 384 : i32
    %dma_wait3A_58 = arith.constant 0 : i32
    %dma_wait3A_59 = tpu.memref_slice %arg6[%dma_wait3A_57, %dma_wait3A_58] : memref<512x128xf32, #tpu.memory_space<vmem>> -> memref<128x128xf32, #tpu.memory_space<vmem>>
    %dma_wait3A_60 = arith.constant 384 : i32
    %dma_wait3A_61 = tpu.memref_slice %arg5[%dma_wait3A_60] : memref<512xi32, #tpu.memory_space<vmem>> -> memref<128xi32, #tpu.memory_space<vmem>>
    %dma_wait3A_62 = arith.constant 0 : i32
    %dma_wait3A_63 = arith.constant 0 : i32
    %dma_wait3A_64 = tpu.memref_slice %arg2[%dma_wait3A_62, %dma_wait3A_63] : memref<100000x128xf32, #tpu.memory_space<hbm>> -> memref<100000x128xf32, #tpu.memory_space<hbm>>
    tpu.wait_indirect_dma semaphore(%arg7 : memref<!tpu.dma_semaphore, #tpu.memory_space<semaphore_mem>>) src(%dma_wait3A_64 : memref<100000x128xf32, #tpu.memory_space<hbm>>) dst(%dma_wait3A_59 : memref<128x128xf32, #tpu.memory_space<vmem>>)
    "tpu.region"() ({
      %run_scoped3A = tpu.sem_alloc : memref<!tpu.dma_semaphore, #tpu.memory_space<semaphore_mem>>
      %dma_start3A_65 = arith.constant 0 : i32
      %dma_start3A_66 = tpu.memref_slice %arg4[%mul3A_2, %dma_start3A_65] : memref<16384x128xf32, #tpu.memory_space<hbm>> -> memref<512x128xf32, #tpu.memory_space<hbm>>
      %dma_start3A_67 = arith.constant 0 : i32
      %dma_start3A_68 = tpu.memref_slice %arg4[%mul3A_2, %dma_start3A_67] : memref<16384x128xf32, #tpu.memory_space<hbm>> -> memref<512x128xf32, #tpu.memory_space<hbm>>
      tpu.enqueue_dma source(%arg6 : memref<512x128xf32, #tpu.memory_space<vmem>>) target(%dma_start3A_68 : memref<512x128xf32, #tpu.memory_space<hbm>>) target_semaphore(%run_scoped3A : memref<!tpu.dma_semaphore, #tpu.memory_space<semaphore_mem>>)
      %dma_wait3A_69 = arith.constant 0 : i32
      %dma_wait3A_70 = tpu.memref_slice %arg4[%mul3A_2, %dma_wait3A_69] : memref<16384x128xf32, #tpu.memory_space<hbm>> -> memref<512x128xf32, #tpu.memory_space<hbm>>
      %dma_wait3A_71 = arith.constant 0 : i32
      %dma_wait3A_72 = tpu.memref_slice %arg4[%mul3A_2, %dma_wait3A_71] : memref<16384x128xf32, #tpu.memory_space<hbm>> -> memref<512x128xf32, #tpu.memory_space<hbm>>
      tpu.wait_dma2 semaphore(%run_scoped3A : memref<!tpu.dma_semaphore, #tpu.memory_space<semaphore_mem>>) src(%arg6 : memref<512x128xf32, #tpu.memory_space<vmem>>) dst(%dma_wait3A_72 : memref<512x128xf32, #tpu.memory_space<hbm>>)
      tpu.yield
    }) : () -> ()
    return
  }
}

module attributes {stable_mosaic.version = 14 : i64} {
  func.func @_tc_score_body(%arg0: i32, %arg1: memref<8192xi32, #tpu.memory_space<smem>>, %arg2: memref<128x128xf32, #tpu.memory_space<vmem>>, %arg3: memref<128x128xf32, #tpu.memory_space<vmem>>, %arg4: memref<128x1xi32, #tpu.memory_space<vmem>>, %arg5: memref<500x128x128xf32, #tpu.memory_space<hbm>>, %arg6: memref<128x1xf32, #tpu.memory_space<vmem>>, %arg7: memref<500x128x128xf32, #tpu.memory_space<vmem>>, %arg8: memref<4x!tpu.dma_semaphore, #tpu.memory_space<semaphore_mem>>, %arg9: memref<1xi32, #tpu.memory_space<smem>>) attributes {dimension_semantics = [#tpu.dimension_semantics<arbitrary>], iteration_bounds = array<i64: 64>, scalar_prefetch = 1 : i64, scratch_operands = 3 : i64, tpu.core_type = #tpu.core_type<tc>, window_params = [{transform_indices = @transform_0, window_bounds = array<i64: 128, 128>}, {transform_indices = @transform_1, window_bounds = array<i64: 128, 128>}, {transform_indices = @transform_2, window_bounds = array<i64: 128, 1>}, {}, {transform_indices = @transform_4, window_bounds = array<i64: 128, 1>}]} {
    %eq3A = arith.constant 0 : i32
    %eq3A_0 = arith.cmpi eq, %arg0, %eq3A : i32
    %convert_element_type3A = arith.extui %eq3A_0 : i1 to i32
    %cond3A = arith.constant 0 : i32
    %cond3A_1 = arith.cmpi ne, %convert_element_type3A, %cond3A : i32
    scf.if %cond3A_1 {
      %swap3A_99 = arith.constant 0 : i32
      %swap3A_100 = arith.constant 0 : index
      %swap3A_101 = memref.load %arg9[%swap3A_100] : memref<1xi32, #tpu.memory_space<smem>>
      memref.store %swap3A_99, %arg9[%swap3A_100] : memref<1xi32, #tpu.memory_space<smem>>
      %dma_start3A = arith.constant 0 : i32
      %dma_start3A_102 = tpu.memref_slice %arg8[%dma_start3A] : memref<4x!tpu.dma_semaphore, #tpu.memory_space<semaphore_mem>> -> memref<1x!tpu.dma_semaphore, #tpu.memory_space<semaphore_mem>>
      %dma_start3A_103 = tpu.memref_squeeze %dma_start3A_102 : memref<1x!tpu.dma_semaphore, #tpu.memory_space<semaphore_mem>> -> memref<!tpu.dma_semaphore, #tpu.memory_space<semaphore_mem>>
      %dma_start3A_104 = arith.constant 0 : i32
      %dma_start3A_105 = arith.constant 0 : i32
      %dma_start3A_106 = arith.constant 0 : i32
      %dma_start3A_107 = tpu.memref_slice %arg7[%dma_start3A_104, %dma_start3A_105, %dma_start3A_106] : memref<500x128x128xf32, #tpu.memory_space<vmem>> -> memref<25x128x128xf32, #tpu.memory_space<vmem>>
      %dma_start3A_108 = arith.constant 0 : i32
      %dma_start3A_109 = arith.constant 0 : i32
      %dma_start3A_110 = arith.constant 0 : i32
      %dma_start3A_111 = tpu.memref_slice %arg5[%dma_start3A_108, %dma_start3A_109, %dma_start3A_110] : memref<500x128x128xf32, #tpu.memory_space<hbm>> -> memref<25x128x128xf32, #tpu.memory_space<hbm>>
      tpu.enqueue_dma source(%dma_start3A_111 : memref<25x128x128xf32, #tpu.memory_space<hbm>>) target(%dma_start3A_107 : memref<25x128x128xf32, #tpu.memory_space<vmem>>) target_semaphore(%dma_start3A_103 : memref<!tpu.dma_semaphore, #tpu.memory_space<semaphore_mem>>)
      %dma_start3A_112 = arith.constant 1 : i32
      %dma_start3A_113 = tpu.memref_slice %arg8[%dma_start3A_112] : memref<4x!tpu.dma_semaphore, #tpu.memory_space<semaphore_mem>> -> memref<1x!tpu.dma_semaphore, #tpu.memory_space<semaphore_mem>>
      %dma_start3A_114 = tpu.memref_squeeze %dma_start3A_113 : memref<1x!tpu.dma_semaphore, #tpu.memory_space<semaphore_mem>> -> memref<!tpu.dma_semaphore, #tpu.memory_space<semaphore_mem>>
      %dma_start3A_115 = arith.constant 25 : i32
      %dma_start3A_116 = arith.constant 0 : i32
      %dma_start3A_117 = arith.constant 0 : i32
      %dma_start3A_118 = tpu.memref_slice %arg7[%dma_start3A_115, %dma_start3A_116, %dma_start3A_117] : memref<500x128x128xf32, #tpu.memory_space<vmem>> -> memref<25x128x128xf32, #tpu.memory_space<vmem>>
      %dma_start3A_119 = arith.constant 25 : i32
      %dma_start3A_120 = arith.constant 0 : i32
      %dma_start3A_121 = arith.constant 0 : i32
      %dma_start3A_122 = tpu.memref_slice %arg5[%dma_start3A_119, %dma_start3A_120, %dma_start3A_121] : memref<500x128x128xf32, #tpu.memory_space<hbm>> -> memref<25x128x128xf32, #tpu.memory_space<hbm>>
      tpu.enqueue_dma source(%dma_start3A_122 : memref<25x128x128xf32, #tpu.memory_space<hbm>>) target(%dma_start3A_118 : memref<25x128x128xf32, #tpu.memory_space<vmem>>) target_semaphore(%dma_start3A_114 : memref<!tpu.dma_semaphore, #tpu.memory_space<semaphore_mem>>)
      %dma_start3A_123 = arith.constant 2 : i32
      %dma_start3A_124 = tpu.memref_slice %arg8[%dma_start3A_123] : memref<4x!tpu.dma_semaphore, #tpu.memory_space<semaphore_mem>> -> memref<1x!tpu.dma_semaphore, #tpu.memory_space<semaphore_mem>>
      %dma_start3A_125 = tpu.memref_squeeze %dma_start3A_124 : memref<1x!tpu.dma_semaphore, #tpu.memory_space<semaphore_mem>> -> memref<!tpu.dma_semaphore, #tpu.memory_space<semaphore_mem>>
      %dma_start3A_126 = arith.constant 50 : i32
      %dma_start3A_127 = arith.constant 0 : i32
      %dma_start3A_128 = arith.constant 0 : i32
      %dma_start3A_129 = tpu.memref_slice %arg7[%dma_start3A_126, %dma_start3A_127, %dma_start3A_128] : memref<500x128x128xf32, #tpu.memory_space<vmem>> -> memref<25x128x128xf32, #tpu.memory_space<vmem>>
      %dma_start3A_130 = arith.constant 50 : i32
      %dma_start3A_131 = arith.constant 0 : i32
      %dma_start3A_132 = arith.constant 0 : i32
      %dma_start3A_133 = tpu.memref_slice %arg5[%dma_start3A_130, %dma_start3A_131, %dma_start3A_132] : memref<500x128x128xf32, #tpu.memory_space<hbm>> -> memref<25x128x128xf32, #tpu.memory_space<hbm>>
      tpu.enqueue_dma source(%dma_start3A_133 : memref<25x128x128xf32, #tpu.memory_space<hbm>>) target(%dma_start3A_129 : memref<25x128x128xf32, #tpu.memory_space<vmem>>) target_semaphore(%dma_start3A_125 : memref<!tpu.dma_semaphore, #tpu.memory_space<semaphore_mem>>)
      %dma_start3A_134 = arith.constant 3 : i32
      %dma_start3A_135 = tpu.memref_slice %arg8[%dma_start3A_134] : memref<4x!tpu.dma_semaphore, #tpu.memory_space<semaphore_mem>> -> memref<1x!tpu.dma_semaphore, #tpu.memory_space<semaphore_mem>>
      %dma_start3A_136 = tpu.memref_squeeze %dma_start3A_135 : memref<1x!tpu.dma_semaphore, #tpu.memory_space<semaphore_mem>> -> memref<!tpu.dma_semaphore, #tpu.memory_space<semaphore_mem>>
      %dma_start3A_137 = arith.constant 75 : i32
      %dma_start3A_138 = arith.constant 0 : i32
      %dma_start3A_139 = arith.constant 0 : i32
      %dma_start3A_140 = tpu.memref_slice %arg7[%dma_start3A_137, %dma_start3A_138, %dma_start3A_139] : memref<500x128x128xf32, #tpu.memory_space<vmem>> -> memref<25x128x128xf32, #tpu.memory_space<vmem>>
      %dma_start3A_141 = arith.constant 75 : i32
      %dma_start3A_142 = arith.constant 0 : i32
      %dma_start3A_143 = arith.constant 0 : i32
      %dma_start3A_144 = tpu.memref_slice %arg5[%dma_start3A_141, %dma_start3A_142, %dma_start3A_143] : memref<500x128x128xf32, #tpu.memory_space<hbm>> -> memref<25x128x128xf32, #tpu.memory_space<hbm>>
      tpu.enqueue_dma source(%dma_start3A_144 : memref<25x128x128xf32, #tpu.memory_space<hbm>>) target(%dma_start3A_140 : memref<25x128x128xf32, #tpu.memory_space<vmem>>) target_semaphore(%dma_start3A_136 : memref<!tpu.dma_semaphore, #tpu.memory_space<semaphore_mem>>)
      %dma_start3A_145 = arith.constant 0 : i32
      %dma_start3A_146 = tpu.memref_slice %arg8[%dma_start3A_145] : memref<4x!tpu.dma_semaphore, #tpu.memory_space<semaphore_mem>> -> memref<1x!tpu.dma_semaphore, #tpu.memory_space<semaphore_mem>>
      %dma_start3A_147 = tpu.memref_squeeze %dma_start3A_146 : memref<1x!tpu.dma_semaphore, #tpu.memory_space<semaphore_mem>> -> memref<!tpu.dma_semaphore, #tpu.memory_space<semaphore_mem>>
      %dma_start3A_148 = arith.constant 100 : i32
      %dma_start3A_149 = arith.constant 0 : i32
      %dma_start3A_150 = arith.constant 0 : i32
      %dma_start3A_151 = tpu.memref_slice %arg7[%dma_start3A_148, %dma_start3A_149, %dma_start3A_150] : memref<500x128x128xf32, #tpu.memory_space<vmem>> -> memref<25x128x128xf32, #tpu.memory_space<vmem>>
      %dma_start3A_152 = arith.constant 100 : i32
      %dma_start3A_153 = arith.constant 0 : i32
      %dma_start3A_154 = arith.constant 0 : i32
      %dma_start3A_155 = tpu.memref_slice %arg5[%dma_start3A_152, %dma_start3A_153, %dma_start3A_154] : memref<500x128x128xf32, #tpu.memory_space<hbm>> -> memref<25x128x128xf32, #tpu.memory_space<hbm>>
      tpu.enqueue_dma source(%dma_start3A_155 : memref<25x128x128xf32, #tpu.memory_space<hbm>>) target(%dma_start3A_151 : memref<25x128x128xf32, #tpu.memory_space<vmem>>) target_semaphore(%dma_start3A_147 : memref<!tpu.dma_semaphore, #tpu.memory_space<semaphore_mem>>)
      %dma_start3A_156 = arith.constant 1 : i32
      %dma_start3A_157 = tpu.memref_slice %arg8[%dma_start3A_156] : memref<4x!tpu.dma_semaphore, #tpu.memory_space<semaphore_mem>> -> memref<1x!tpu.dma_semaphore, #tpu.memory_space<semaphore_mem>>
      %dma_start3A_158 = tpu.memref_squeeze %dma_start3A_157 : memref<1x!tpu.dma_semaphore, #tpu.memory_space<semaphore_mem>> -> memref<!tpu.dma_semaphore, #tpu.memory_space<semaphore_mem>>
      %dma_start3A_159 = arith.constant 125 : i32
      %dma_start3A_160 = arith.constant 0 : i32
      %dma_start3A_161 = arith.constant 0 : i32
      %dma_start3A_162 = tpu.memref_slice %arg7[%dma_start3A_159, %dma_start3A_160, %dma_start3A_161] : memref<500x128x128xf32, #tpu.memory_space<vmem>> -> memref<25x128x128xf32, #tpu.memory_space<vmem>>
      %dma_start3A_163 = arith.constant 125 : i32
      %dma_start3A_164 = arith.constant 0 : i32
      %dma_start3A_165 = arith.constant 0 : i32
      %dma_start3A_166 = tpu.memref_slice %arg5[%dma_start3A_163, %dma_start3A_164, %dma_start3A_165] : memref<500x128x128xf32, #tpu.memory_space<hbm>> -> memref<25x128x128xf32, #tpu.memory_space<hbm>>
      tpu.enqueue_dma source(%dma_start3A_166 : memref<25x128x128xf32, #tpu.memory_space<hbm>>) target(%dma_start3A_162 : memref<25x128x128xf32, #tpu.memory_space<vmem>>) target_semaphore(%dma_start3A_158 : memref<!tpu.dma_semaphore, #tpu.memory_space<semaphore_mem>>)
      %dma_start3A_167 = arith.constant 2 : i32
      %dma_start3A_168 = tpu.memref_slice %arg8[%dma_start3A_167] : memref<4x!tpu.dma_semaphore, #tpu.memory_space<semaphore_mem>> -> memref<1x!tpu.dma_semaphore, #tpu.memory_space<semaphore_mem>>
      %dma_start3A_169 = tpu.memref_squeeze %dma_start3A_168 : memref<1x!tpu.dma_semaphore, #tpu.memory_space<semaphore_mem>> -> memref<!tpu.dma_semaphore, #tpu.memory_space<semaphore_mem>>
      %dma_start3A_170 = arith.constant 150 : i32
      %dma_start3A_171 = arith.constant 0 : i32
      %dma_start3A_172 = arith.constant 0 : i32
      %dma_start3A_173 = tpu.memref_slice %arg7[%dma_start3A_170, %dma_start3A_171, %dma_start3A_172] : memref<500x128x128xf32, #tpu.memory_space<vmem>> -> memref<25x128x128xf32, #tpu.memory_space<vmem>>
      %dma_start3A_174 = arith.constant 150 : i32
      %dma_start3A_175 = arith.constant 0 : i32
      %dma_start3A_176 = arith.constant 0 : i32
      %dma_start3A_177 = tpu.memref_slice %arg5[%dma_start3A_174, %dma_start3A_175, %dma_start3A_176] : memref<500x128x128xf32, #tpu.memory_space<hbm>> -> memref<25x128x128xf32, #tpu.memory_space<hbm>>
      tpu.enqueue_dma source(%dma_start3A_177 : memref<25x128x128xf32, #tpu.memory_space<hbm>>) target(%dma_start3A_173 : memref<25x128x128xf32, #tpu.memory_space<vmem>>) target_semaphore(%dma_start3A_169 : memref<!tpu.dma_semaphore, #tpu.memory_space<semaphore_mem>>)
      %dma_start3A_178 = arith.constant 3 : i32
      %dma_start3A_179 = tpu.memref_slice %arg8[%dma_start3A_178] : memref<4x!tpu.dma_semaphore, #tpu.memory_space<semaphore_mem>> -> memref<1x!tpu.dma_semaphore, #tpu.memory_space<semaphore_mem>>
      %dma_start3A_180 = tpu.memref_squeeze %dma_start3A_179 : memref<1x!tpu.dma_semaphore, #tpu.memory_space<semaphore_mem>> -> memref<!tpu.dma_semaphore, #tpu.memory_space<semaphore_mem>>
      %dma_start3A_181 = arith.constant 175 : i32
      %dma_start3A_182 = arith.constant 0 : i32
      %dma_start3A_183 = arith.constant 0 : i32
      %dma_start3A_184 = tpu.memref_slice %arg7[%dma_start3A_181, %dma_start3A_182, %dma_start3A_183] : memref<500x128x128xf32, #tpu.memory_space<vmem>> -> memref<25x128x128xf32, #tpu.memory_space<vmem>>
      %dma_start3A_185 = arith.constant 175 : i32
      %dma_start3A_186 = arith.constant 0 : i32
      %dma_start3A_187 = arith.constant 0 : i32
      %dma_start3A_188 = tpu.memref_slice %arg5[%dma_start3A_185, %dma_start3A_186, %dma_start3A_187] : memref<500x128x128xf32, #tpu.memory_space<hbm>> -> memref<25x128x128xf32, #tpu.memory_space<hbm>>
      tpu.enqueue_dma source(%dma_start3A_188 : memref<25x128x128xf32, #tpu.memory_space<hbm>>) target(%dma_start3A_184 : memref<25x128x128xf32, #tpu.memory_space<vmem>>) target_semaphore(%dma_start3A_180 : memref<!tpu.dma_semaphore, #tpu.memory_space<semaphore_mem>>)
      %dma_start3A_189 = arith.constant 0 : i32
      %dma_start3A_190 = tpu.memref_slice %arg8[%dma_start3A_189] : memref<4x!tpu.dma_semaphore, #tpu.memory_space<semaphore_mem>> -> memref<1x!tpu.dma_semaphore, #tpu.memory_space<semaphore_mem>>
      %dma_start3A_191 = tpu.memref_squeeze %dma_start3A_190 : memref<1x!tpu.dma_semaphore, #tpu.memory_space<semaphore_mem>> -> memref<!tpu.dma_semaphore, #tpu.memory_space<semaphore_mem>>
      %dma_start3A_192 = arith.constant 200 : i32
      %dma_start3A_193 = arith.constant 0 : i32
      %dma_start3A_194 = arith.constant 0 : i32
      %dma_start3A_195 = tpu.memref_slice %arg7[%dma_start3A_192, %dma_start3A_193, %dma_start3A_194] : memref<500x128x128xf32, #tpu.memory_space<vmem>> -> memref<25x128x128xf32, #tpu.memory_space<vmem>>
      %dma_start3A_196 = arith.constant 200 : i32
      %dma_start3A_197 = arith.constant 0 : i32
      %dma_start3A_198 = arith.constant 0 : i32
      %dma_start3A_199 = tpu.memref_slice %arg5[%dma_start3A_196, %dma_start3A_197, %dma_start3A_198] : memref<500x128x128xf32, #tpu.memory_space<hbm>> -> memref<25x128x128xf32, #tpu.memory_space<hbm>>
      tpu.enqueue_dma source(%dma_start3A_199 : memref<25x128x128xf32, #tpu.memory_space<hbm>>) target(%dma_start3A_195 : memref<25x128x128xf32, #tpu.memory_space<vmem>>) target_semaphore(%dma_start3A_191 : memref<!tpu.dma_semaphore, #tpu.memory_space<semaphore_mem>>)
      %dma_start3A_200 = arith.constant 1 : i32
      %dma_start3A_201 = tpu.memref_slice %arg8[%dma_start3A_200] : memref<4x!tpu.dma_semaphore, #tpu.memory_space<semaphore_mem>> -> memref<1x!tpu.dma_semaphore, #tpu.memory_space<semaphore_mem>>
      %dma_start3A_202 = tpu.memref_squeeze %dma_start3A_201 : memref<1x!tpu.dma_semaphore, #tpu.memory_space<semaphore_mem>> -> memref<!tpu.dma_semaphore, #tpu.memory_space<semaphore_mem>>
      %dma_start3A_203 = arith.constant 225 : i32
      %dma_start3A_204 = arith.constant 0 : i32
      %dma_start3A_205 = arith.constant 0 : i32
      %dma_start3A_206 = tpu.memref_slice %arg7[%dma_start3A_203, %dma_start3A_204, %dma_start3A_205] : memref<500x128x128xf32, #tpu.memory_space<vmem>> -> memref<25x128x128xf32, #tpu.memory_space<vmem>>
      %dma_start3A_207 = arith.constant 225 : i32
      %dma_start3A_208 = arith.constant 0 : i32
      %dma_start3A_209 = arith.constant 0 : i32
      %dma_start3A_210 = tpu.memref_slice %arg5[%dma_start3A_207, %dma_start3A_208, %dma_start3A_209] : memref<500x128x128xf32, #tpu.memory_space<hbm>> -> memref<25x128x128xf32, #tpu.memory_space<hbm>>
      tpu.enqueue_dma source(%dma_start3A_210 : memref<25x128x128xf32, #tpu.memory_space<hbm>>) target(%dma_start3A_206 : memref<25x128x128xf32, #tpu.memory_space<vmem>>) target_semaphore(%dma_start3A_202 : memref<!tpu.dma_semaphore, #tpu.memory_space<semaphore_mem>>)
      %dma_start3A_211 = arith.constant 2 : i32
      %dma_start3A_212 = tpu.memref_slice %arg8[%dma_start3A_211] : memref<4x!tpu.dma_semaphore, #tpu.memory_space<semaphore_mem>> -> memref<1x!tpu.dma_semaphore, #tpu.memory_space<semaphore_mem>>
      %dma_start3A_213 = tpu.memref_squeeze %dma_start3A_212 : memref<1x!tpu.dma_semaphore, #tpu.memory_space<semaphore_mem>> -> memref<!tpu.dma_semaphore, #tpu.memory_space<semaphore_mem>>
      %dma_start3A_214 = arith.constant 250 : i32
      %dma_start3A_215 = arith.constant 0 : i32
      %dma_start3A_216 = arith.constant 0 : i32
      %dma_start3A_217 = tpu.memref_slice %arg7[%dma_start3A_214, %dma_start3A_215, %dma_start3A_216] : memref<500x128x128xf32, #tpu.memory_space<vmem>> -> memref<25x128x128xf32, #tpu.memory_space<vmem>>
      %dma_start3A_218 = arith.constant 250 : i32
      %dma_start3A_219 = arith.constant 0 : i32
      %dma_start3A_220 = arith.constant 0 : i32
      %dma_start3A_221 = tpu.memref_slice %arg5[%dma_start3A_218, %dma_start3A_219, %dma_start3A_220] : memref<500x128x128xf32, #tpu.memory_space<hbm>> -> memref<25x128x128xf32, #tpu.memory_space<hbm>>
      tpu.enqueue_dma source(%dma_start3A_221 : memref<25x128x128xf32, #tpu.memory_space<hbm>>) target(%dma_start3A_217 : memref<25x128x128xf32, #tpu.memory_space<vmem>>) target_semaphore(%dma_start3A_213 : memref<!tpu.dma_semaphore, #tpu.memory_space<semaphore_mem>>)
      %dma_start3A_222 = arith.constant 3 : i32
      %dma_start3A_223 = tpu.memref_slice %arg8[%dma_start3A_222] : memref<4x!tpu.dma_semaphore, #tpu.memory_space<semaphore_mem>> -> memref<1x!tpu.dma_semaphore, #tpu.memory_space<semaphore_mem>>
      %dma_start3A_224 = tpu.memref_squeeze %dma_start3A_223 : memref<1x!tpu.dma_semaphore, #tpu.memory_space<semaphore_mem>> -> memref<!tpu.dma_semaphore, #tpu.memory_space<semaphore_mem>>
      %dma_start3A_225 = arith.constant 275 : i32
      %dma_start3A_226 = arith.constant 0 : i32
      %dma_start3A_227 = arith.constant 0 : i32
      %dma_start3A_228 = tpu.memref_slice %arg7[%dma_start3A_225, %dma_start3A_226, %dma_start3A_227] : memref<500x128x128xf32, #tpu.memory_space<vmem>> -> memref<25x128x128xf32, #tpu.memory_space<vmem>>
      %dma_start3A_229 = arith.constant 275 : i32
      %dma_start3A_230 = arith.constant 0 : i32
      %dma_start3A_231 = arith.constant 0 : i32
      %dma_start3A_232 = tpu.memref_slice %arg5[%dma_start3A_229, %dma_start3A_230, %dma_start3A_231] : memref<500x128x128xf32, #tpu.memory_space<hbm>> -> memref<25x128x128xf32, #tpu.memory_space<hbm>>
      tpu.enqueue_dma source(%dma_start3A_232 : memref<25x128x128xf32, #tpu.memory_space<hbm>>) target(%dma_start3A_228 : memref<25x128x128xf32, #tpu.memory_space<vmem>>) target_semaphore(%dma_start3A_224 : memref<!tpu.dma_semaphore, #tpu.memory_space<semaphore_mem>>)
      %dma_start3A_233 = arith.constant 0 : i32
      %dma_start3A_234 = tpu.memref_slice %arg8[%dma_start3A_233] : memref<4x!tpu.dma_semaphore, #tpu.memory_space<semaphore_mem>> -> memref<1x!tpu.dma_semaphore, #tpu.memory_space<semaphore_mem>>
      %dma_start3A_235 = tpu.memref_squeeze %dma_start3A_234 : memref<1x!tpu.dma_semaphore, #tpu.memory_space<semaphore_mem>> -> memref<!tpu.dma_semaphore, #tpu.memory_space<semaphore_mem>>
      %dma_start3A_236 = arith.constant 300 : i32
      %dma_start3A_237 = arith.constant 0 : i32
      %dma_start3A_238 = arith.constant 0 : i32
      %dma_start3A_239 = tpu.memref_slice %arg7[%dma_start3A_236, %dma_start3A_237, %dma_start3A_238] : memref<500x128x128xf32, #tpu.memory_space<vmem>> -> memref<25x128x128xf32, #tpu.memory_space<vmem>>
      %dma_start3A_240 = arith.constant 300 : i32
      %dma_start3A_241 = arith.constant 0 : i32
      %dma_start3A_242 = arith.constant 0 : i32
      %dma_start3A_243 = tpu.memref_slice %arg5[%dma_start3A_240, %dma_start3A_241, %dma_start3A_242] : memref<500x128x128xf32, #tpu.memory_space<hbm>> -> memref<25x128x128xf32, #tpu.memory_space<hbm>>
      tpu.enqueue_dma source(%dma_start3A_243 : memref<25x128x128xf32, #tpu.memory_space<hbm>>) target(%dma_start3A_239 : memref<25x128x128xf32, #tpu.memory_space<vmem>>) target_semaphore(%dma_start3A_235 : memref<!tpu.dma_semaphore, #tpu.memory_space<semaphore_mem>>)
      %dma_start3A_244 = arith.constant 1 : i32
      %dma_start3A_245 = tpu.memref_slice %arg8[%dma_start3A_244] : memref<4x!tpu.dma_semaphore, #tpu.memory_space<semaphore_mem>> -> memref<1x!tpu.dma_semaphore, #tpu.memory_space<semaphore_mem>>
      %dma_start3A_246 = tpu.memref_squeeze %dma_start3A_245 : memref<1x!tpu.dma_semaphore, #tpu.memory_space<semaphore_mem>> -> memref<!tpu.dma_semaphore, #tpu.memory_space<semaphore_mem>>
      %dma_start3A_247 = arith.constant 325 : i32
      %dma_start3A_248 = arith.constant 0 : i32
      %dma_start3A_249 = arith.constant 0 : i32
      %dma_start3A_250 = tpu.memref_slice %arg7[%dma_start3A_247, %dma_start3A_248, %dma_start3A_249] : memref<500x128x128xf32, #tpu.memory_space<vmem>> -> memref<25x128x128xf32, #tpu.memory_space<vmem>>
      %dma_start3A_251 = arith.constant 325 : i32
      %dma_start3A_252 = arith.constant 0 : i32
      %dma_start3A_253 = arith.constant 0 : i32
      %dma_start3A_254 = tpu.memref_slice %arg5[%dma_start3A_251, %dma_start3A_252, %dma_start3A_253] : memref<500x128x128xf32, #tpu.memory_space<hbm>> -> memref<25x128x128xf32, #tpu.memory_space<hbm>>
      tpu.enqueue_dma source(%dma_start3A_254 : memref<25x128x128xf32, #tpu.memory_space<hbm>>) target(%dma_start3A_250 : memref<25x128x128xf32, #tpu.memory_space<vmem>>) target_semaphore(%dma_start3A_246 : memref<!tpu.dma_semaphore, #tpu.memory_space<semaphore_mem>>)
      %dma_start3A_255 = arith.constant 2 : i32
      %dma_start3A_256 = tpu.memref_slice %arg8[%dma_start3A_255] : memref<4x!tpu.dma_semaphore, #tpu.memory_space<semaphore_mem>> -> memref<1x!tpu.dma_semaphore, #tpu.memory_space<semaphore_mem>>
      %dma_start3A_257 = tpu.memref_squeeze %dma_start3A_256 : memref<1x!tpu.dma_semaphore, #tpu.memory_space<semaphore_mem>> -> memref<!tpu.dma_semaphore, #tpu.memory_space<semaphore_mem>>
      %dma_start3A_258 = arith.constant 350 : i32
      %dma_start3A_259 = arith.constant 0 : i32
      %dma_start3A_260 = arith.constant 0 : i32
      %dma_start3A_261 = tpu.memref_slice %arg7[%dma_start3A_258, %dma_start3A_259, %dma_start3A_260] : memref<500x128x128xf32, #tpu.memory_space<vmem>> -> memref<25x128x128xf32, #tpu.memory_space<vmem>>
      %dma_start3A_262 = arith.constant 350 : i32
      %dma_start3A_263 = arith.constant 0 : i32
      %dma_start3A_264 = arith.constant 0 : i32
      %dma_start3A_265 = tpu.memref_slice %arg5[%dma_start3A_262, %dma_start3A_263, %dma_start3A_264] : memref<500x128x128xf32, #tpu.memory_space<hbm>> -> memref<25x128x128xf32, #tpu.memory_space<hbm>>
      tpu.enqueue_dma source(%dma_start3A_265 : memref<25x128x128xf32, #tpu.memory_space<hbm>>) target(%dma_start3A_261 : memref<25x128x128xf32, #tpu.memory_space<vmem>>) target_semaphore(%dma_start3A_257 : memref<!tpu.dma_semaphore, #tpu.memory_space<semaphore_mem>>)
      %dma_start3A_266 = arith.constant 3 : i32
      %dma_start3A_267 = tpu.memref_slice %arg8[%dma_start3A_266] : memref<4x!tpu.dma_semaphore, #tpu.memory_space<semaphore_mem>> -> memref<1x!tpu.dma_semaphore, #tpu.memory_space<semaphore_mem>>
      %dma_start3A_268 = tpu.memref_squeeze %dma_start3A_267 : memref<1x!tpu.dma_semaphore, #tpu.memory_space<semaphore_mem>> -> memref<!tpu.dma_semaphore, #tpu.memory_space<semaphore_mem>>
      %dma_start3A_269 = arith.constant 375 : i32
      %dma_start3A_270 = arith.constant 0 : i32
      %dma_start3A_271 = arith.constant 0 : i32
      %dma_start3A_272 = tpu.memref_slice %arg7[%dma_start3A_269, %dma_start3A_270, %dma_start3A_271] : memref<500x128x128xf32, #tpu.memory_space<vmem>> -> memref<25x128x128xf32, #tpu.memory_space<vmem>>
      %dma_start3A_273 = arith.constant 375 : i32
      %dma_start3A_274 = arith.constant 0 : i32
      %dma_start3A_275 = arith.constant 0 : i32
      %dma_start3A_276 = tpu.memref_slice %arg5[%dma_start3A_273, %dma_start3A_274, %dma_start3A_275] : memref<500x128x128xf32, #tpu.memory_space<hbm>> -> memref<25x128x128xf32, #tpu.memory_space<hbm>>
      tpu.enqueue_dma source(%dma_start3A_276 : memref<25x128x128xf32, #tpu.memory_space<hbm>>) target(%dma_start3A_272 : memref<25x128x128xf32, #tpu.memory_space<vmem>>) target_semaphore(%dma_start3A_268 : memref<!tpu.dma_semaphore, #tpu.memory_space<semaphore_mem>>)
      %dma_start3A_277 = arith.constant 0 : i32
      %dma_start3A_278 = tpu.memref_slice %arg8[%dma_start3A_277] : memref<4x!tpu.dma_semaphore, #tpu.memory_space<semaphore_mem>> -> memref<1x!tpu.dma_semaphore, #tpu.memory_space<semaphore_mem>>
      %dma_start3A_279 = tpu.memref_squeeze %dma_start3A_278 : memref<1x!tpu.dma_semaphore, #tpu.memory_space<semaphore_mem>> -> memref<!tpu.dma_semaphore, #tpu.memory_space<semaphore_mem>>
      %dma_start3A_280 = arith.constant 400 : i32
      %dma_start3A_281 = arith.constant 0 : i32
      %dma_start3A_282 = arith.constant 0 : i32
      %dma_start3A_283 = tpu.memref_slice %arg7[%dma_start3A_280, %dma_start3A_281, %dma_start3A_282] : memref<500x128x128xf32, #tpu.memory_space<vmem>> -> memref<25x128x128xf32, #tpu.memory_space<vmem>>
      %dma_start3A_284 = arith.constant 400 : i32
      %dma_start3A_285 = arith.constant 0 : i32
      %dma_start3A_286 = arith.constant 0 : i32
      %dma_start3A_287 = tpu.memref_slice %arg5[%dma_start3A_284, %dma_start3A_285, %dma_start3A_286] : memref<500x128x128xf32, #tpu.memory_space<hbm>> -> memref<25x128x128xf32, #tpu.memory_space<hbm>>
      tpu.enqueue_dma source(%dma_start3A_287 : memref<25x128x128xf32, #tpu.memory_space<hbm>>) target(%dma_start3A_283 : memref<25x128x128xf32, #tpu.memory_space<vmem>>) target_semaphore(%dma_start3A_279 : memref<!tpu.dma_semaphore, #tpu.memory_space<semaphore_mem>>)
      %dma_start3A_288 = arith.constant 1 : i32
      %dma_start3A_289 = tpu.memref_slice %arg8[%dma_start3A_288] : memref<4x!tpu.dma_semaphore, #tpu.memory_space<semaphore_mem>> -> memref<1x!tpu.dma_semaphore, #tpu.memory_space<semaphore_mem>>
      %dma_start3A_290 = tpu.memref_squeeze %dma_start3A_289 : memref<1x!tpu.dma_semaphore, #tpu.memory_space<semaphore_mem>> -> memref<!tpu.dma_semaphore, #tpu.memory_space<semaphore_mem>>
      %dma_start3A_291 = arith.constant 425 : i32
      %dma_start3A_292 = arith.constant 0 : i32
      %dma_start3A_293 = arith.constant 0 : i32
      %dma_start3A_294 = tpu.memref_slice %arg7[%dma_start3A_291, %dma_start3A_292, %dma_start3A_293] : memref<500x128x128xf32, #tpu.memory_space<vmem>> -> memref<25x128x128xf32, #tpu.memory_space<vmem>>
      %dma_start3A_295 = arith.constant 425 : i32
      %dma_start3A_296 = arith.constant 0 : i32
      %dma_start3A_297 = arith.constant 0 : i32
      %dma_start3A_298 = tpu.memref_slice %arg5[%dma_start3A_295, %dma_start3A_296, %dma_start3A_297] : memref<500x128x128xf32, #tpu.memory_space<hbm>> -> memref<25x128x128xf32, #tpu.memory_space<hbm>>
      tpu.enqueue_dma source(%dma_start3A_298 : memref<25x128x128xf32, #tpu.memory_space<hbm>>) target(%dma_start3A_294 : memref<25x128x128xf32, #tpu.memory_space<vmem>>) target_semaphore(%dma_start3A_290 : memref<!tpu.dma_semaphore, #tpu.memory_space<semaphore_mem>>)
      %dma_start3A_299 = arith.constant 2 : i32
      %dma_start3A_300 = tpu.memref_slice %arg8[%dma_start3A_299] : memref<4x!tpu.dma_semaphore, #tpu.memory_space<semaphore_mem>> -> memref<1x!tpu.dma_semaphore, #tpu.memory_space<semaphore_mem>>
      %dma_start3A_301 = tpu.memref_squeeze %dma_start3A_300 : memref<1x!tpu.dma_semaphore, #tpu.memory_space<semaphore_mem>> -> memref<!tpu.dma_semaphore, #tpu.memory_space<semaphore_mem>>
      %dma_start3A_302 = arith.constant 450 : i32
      %dma_start3A_303 = arith.constant 0 : i32
      %dma_start3A_304 = arith.constant 0 : i32
      %dma_start3A_305 = tpu.memref_slice %arg7[%dma_start3A_302, %dma_start3A_303, %dma_start3A_304] : memref<500x128x128xf32, #tpu.memory_space<vmem>> -> memref<25x128x128xf32, #tpu.memory_space<vmem>>
      %dma_start3A_306 = arith.constant 450 : i32
      %dma_start3A_307 = arith.constant 0 : i32
      %dma_start3A_308 = arith.constant 0 : i32
      %dma_start3A_309 = tpu.memref_slice %arg5[%dma_start3A_306, %dma_start3A_307, %dma_start3A_308] : memref<500x128x128xf32, #tpu.memory_space<hbm>> -> memref<25x128x128xf32, #tpu.memory_space<hbm>>
      tpu.enqueue_dma source(%dma_start3A_309 : memref<25x128x128xf32, #tpu.memory_space<hbm>>) target(%dma_start3A_305 : memref<25x128x128xf32, #tpu.memory_space<vmem>>) target_semaphore(%dma_start3A_301 : memref<!tpu.dma_semaphore, #tpu.memory_space<semaphore_mem>>)
      %dma_start3A_310 = arith.constant 3 : i32
      %dma_start3A_311 = tpu.memref_slice %arg8[%dma_start3A_310] : memref<4x!tpu.dma_semaphore, #tpu.memory_space<semaphore_mem>> -> memref<1x!tpu.dma_semaphore, #tpu.memory_space<semaphore_mem>>
      %dma_start3A_312 = tpu.memref_squeeze %dma_start3A_311 : memref<1x!tpu.dma_semaphore, #tpu.memory_space<semaphore_mem>> -> memref<!tpu.dma_semaphore, #tpu.memory_space<semaphore_mem>>
      %dma_start3A_313 = arith.constant 475 : i32
      %dma_start3A_314 = arith.constant 0 : i32
      %dma_start3A_315 = arith.constant 0 : i32
      %dma_start3A_316 = tpu.memref_slice %arg7[%dma_start3A_313, %dma_start3A_314, %dma_start3A_315] : memref<500x128x128xf32, #tpu.memory_space<vmem>> -> memref<25x128x128xf32, #tpu.memory_space<vmem>>
      %dma_start3A_317 = arith.constant 475 : i32
      %dma_start3A_318 = arith.constant 0 : i32
      %dma_start3A_319 = arith.constant 0 : i32
      %dma_start3A_320 = tpu.memref_slice %arg5[%dma_start3A_317, %dma_start3A_318, %dma_start3A_319] : memref<500x128x128xf32, #tpu.memory_space<hbm>> -> memref<25x128x128xf32, #tpu.memory_space<hbm>>
      tpu.enqueue_dma source(%dma_start3A_320 : memref<25x128x128xf32, #tpu.memory_space<hbm>>) target(%dma_start3A_316 : memref<25x128x128xf32, #tpu.memory_space<vmem>>) target_semaphore(%dma_start3A_312 : memref<!tpu.dma_semaphore, #tpu.memory_space<semaphore_mem>>)
    } else {
    }
    %mul3A = arith.constant 128 : i32
    %mul3A_2 = arith.muli %arg0, %mul3A : i32
    %get3A = arith.index_cast %mul3A_2 : i32 to index
    %get3A_3 = memref.load %arg1[%get3A] : memref<8192xi32, #tpu.memory_space<smem>>
    %mul3A_4 = arith.constant 128 : i32
    %mul3A_5 = arith.muli %arg0, %mul3A_4 : i32
    %add3A = arith.constant 128 : i32
    %add3A_6 = arith.addi %mul3A_5, %add3A : i32
    %sub3A = arith.constant 1 : i32
    %sub3A_7 = arith.subi %add3A_6, %sub3A : i32
    %get3A_8 = arith.index_cast %sub3A_7 : i32 to index
    %get3A_9 = memref.load %arg1[%get3A_8] : memref<8192xi32, #tpu.memory_space<smem>>
    %jit3A = arith.constant 25 : i32
    %div3A = arith.divsi %get3A_9, %jit3A : i32
    %sign3A = arith.constant 0 : i32
    %sign3A_10 = arith.cmpi sgt, %get3A_9, %sign3A : i32
    %sign3A_11 = arith.extui %sign3A_10 : i1 to i32
    %sign3A_12 = arith.constant 0 : i32
    %sign3A_13 = arith.cmpi slt, %get3A_9, %sign3A_12 : i32
    %sign3A_14 = arith.extui %sign3A_13 : i1 to i32
    %sign3A_15 = arith.subi %sign3A_11, %sign3A_14 : i32
    %sign3A_16 = arith.constant 0 : i32
    %sign3A_17 = arith.cmpi sgt, %jit3A, %sign3A_16 : i32
    %sign3A_18 = arith.extui %sign3A_17 : i1 to i32
    %sign3A_19 = arith.constant 0 : i32
    %sign3A_20 = arith.cmpi slt, %jit3A, %sign3A_19 : i32
    %sign3A_21 = arith.extui %sign3A_20 : i1 to i32
    %sign3A_22 = arith.subi %sign3A_18, %sign3A_21 : i32
    %ne3A = arith.cmpi ne, %sign3A_15, %sign3A_22 : i32
    %rem3A = arith.remsi %get3A_9, %jit3A : i32
    %ne3A_23 = arith.constant 0 : i32
    %ne3A_24 = arith.cmpi ne, %rem3A, %ne3A_23 : i32
    %and3A = arith.andi %ne3A, %ne3A_24 : i1
    %sub3A_25 = arith.constant 1 : i32
    %sub3A_26 = arith.subi %div3A, %sub3A_25 : i32
    %select_n3A = arith.select %and3A, %sub3A_26, %div3A : i32
    %add3A_27 = arith.constant 1 : i32
    %add3A_28 = arith.addi %select_n3A, %add3A_27 : i32
    %get3A_29 = arith.constant 0 : index
    %get3A_30 = memref.load %arg9[%get3A_29] : memref<1xi32, #tpu.memory_space<smem>>
    %while3A = scf.while (%while3A_99 = %get3A_30) : (i32) -> i32 {
      %lt3A = arith.cmpi slt, %while3A_99, %add3A_28 : i32
      scf.condition(%lt3A) %while3A_99 : i32
    } do {
    ^bb0(%while3A_99: i32):
      %rem3A_100 = arith.constant 4 : i32
      %rem3A_101 = arith.remsi %while3A_99, %rem3A_100 : i32
      %dma_wait3A = tpu.memref_slice %arg8[%rem3A_101] : memref<4x!tpu.dma_semaphore, #tpu.memory_space<semaphore_mem>> -> memref<1x!tpu.dma_semaphore, #tpu.memory_space<semaphore_mem>>
      %dma_wait3A_102 = tpu.memref_squeeze %dma_wait3A : memref<1x!tpu.dma_semaphore, #tpu.memory_space<semaphore_mem>> -> memref<!tpu.dma_semaphore, #tpu.memory_space<semaphore_mem>>
      %dma_wait3A_103 = arith.constant 0 : i32
      %dma_wait3A_104 = arith.constant 0 : i32
      %dma_wait3A_105 = arith.constant 0 : i32
      %dma_wait3A_106 = tpu.memref_slice %arg7[%dma_wait3A_103, %dma_wait3A_104, %dma_wait3A_105] : memref<500x128x128xf32, #tpu.memory_space<vmem>> -> memref<25x128x128xf32, #tpu.memory_space<vmem>>
      %dma_wait3A_107 = arith.constant 0 : i32
      %dma_wait3A_108 = arith.constant 0 : i32
      %dma_wait3A_109 = arith.constant 0 : i32
      %dma_wait3A_110 = tpu.memref_slice %arg5[%dma_wait3A_107, %dma_wait3A_108, %dma_wait3A_109] : memref<500x128x128xf32, #tpu.memory_space<hbm>> -> memref<25x128x128xf32, #tpu.memory_space<hbm>>
      tpu.wait_dma2 semaphore(%dma_wait3A_102 : memref<!tpu.dma_semaphore, #tpu.memory_space<semaphore_mem>>) src(%dma_wait3A_110 : memref<25x128x128xf32, #tpu.memory_space<hbm>>) dst(%dma_wait3A_106 : memref<25x128x128xf32, #tpu.memory_space<vmem>>)
      %add3A_111 = arith.constant 1 : i32
      %add3A_112 = arith.addi %while3A_99, %add3A_111 : i32
      scf.yield %add3A_112 : i32
    }
    %swap3A = arith.constant 0 : index
    %swap3A_31 = memref.load %arg9[%swap3A] : memref<1xi32, #tpu.memory_space<smem>>
    memref.store %while3A, %arg9[%swap3A] : memref<1xi32, #tpu.memory_space<smem>>
    %get3A_32 = arith.constant 0 : index
    %get3A_33 = arith.constant 0 : index
    %get3A_34 = vector.load %arg2[%get3A_32, %get3A_33] : memref<128x128xf32, #tpu.memory_space<vmem>>, vector<128x128xf32>
    %get3A_35 = arith.constant 0 : index
    %get3A_36 = arith.constant 0 : index
    %get3A_37 = vector.load %arg3[%get3A_35, %get3A_36] : memref<128x128xf32, #tpu.memory_space<vmem>>, vector<128x128xf32>
    %get3A_38 = arith.constant 0 : index
    %get3A_39 = arith.constant 0 : index
    %get3A_40 = vector.load %arg4[%get3A_38, %get3A_39] : memref<128x1xi32, #tpu.memory_space<vmem>>, vector<128x1xi32>
    %broadcast_in_dim3A = vector.shape_cast %get3A_40 : vector<128x1xi32> to vector<128x1xi32>
    %broadcast_in_dim3A_41 = vector.broadcast %broadcast_in_dim3A : vector<128x1xi32> to vector<128x128xi32>
    %convert_element_type3A_42 = arith.truncf %get3A_34 : vector<128x128xf32> to vector<128x128xbf16>
    %sub3A_43 = arith.subi %get3A_9, %get3A_3 : i32
    %jit3A_44 = arith.constant 16 : i32
    %div3A_45 = arith.divsi %sub3A_43, %jit3A_44 : i32
    %sign3A_46 = arith.constant 0 : i32
    %sign3A_47 = arith.cmpi sgt, %sub3A_43, %sign3A_46 : i32
    %sign3A_48 = arith.extui %sign3A_47 : i1 to i32
    %sign3A_49 = arith.constant 0 : i32
    %sign3A_50 = arith.cmpi slt, %sub3A_43, %sign3A_49 : i32
    %sign3A_51 = arith.extui %sign3A_50 : i1 to i32
    %sign3A_52 = arith.subi %sign3A_48, %sign3A_51 : i32
    %sign3A_53 = arith.constant 0 : i32
    %sign3A_54 = arith.cmpi sgt, %jit3A_44, %sign3A_53 : i32
    %sign3A_55 = arith.extui %sign3A_54 : i1 to i32
    %sign3A_56 = arith.constant 0 : i32
    %sign3A_57 = arith.cmpi slt, %jit3A_44, %sign3A_56 : i32
    %sign3A_58 = arith.extui %sign3A_57 : i1 to i32
    %sign3A_59 = arith.subi %sign3A_55, %sign3A_58 : i32
    %ne3A_60 = arith.cmpi ne, %sign3A_52, %sign3A_59 : i32
    %rem3A_61 = arith.remsi %sub3A_43, %jit3A_44 : i32
    %ne3A_62 = arith.constant 0 : i32
    %ne3A_63 = arith.cmpi ne, %rem3A_61, %ne3A_62 : i32
    %and3A_64 = arith.andi %ne3A_60, %ne3A_63 : i1
    %sub3A_65 = arith.constant 1 : i32
    %sub3A_66 = arith.subi %div3A_45, %sub3A_65 : i32
    %select_n3A_67 = arith.select %and3A_64, %sub3A_66, %div3A_45 : i32
    %add3A_68 = arith.constant 1 : i32
    %add3A_69 = arith.addi %select_n3A_67, %add3A_68 : i32
    %broadcast_in_dim3A_70 = arith.constant 0.000000e+00 : f32
    %broadcast_in_dim3A_71 = vector.broadcast %broadcast_in_dim3A_70 : f32 to vector<128x128xf32>
    %while3A_72 = arith.constant 0 : i32
    %while3A_73 = arith.subi %add3A_69, %while3A_72 : i32
    %while3A_74 = arith.addi %while3A_72, %while3A_73 : i32
    %while3A_75 = arith.constant 1 : i32
    %while3A_76 = arith.divsi %while3A_73, %while3A_75 : i32
    %while3A_77 = arith.muli %while3A_76, %while3A_75 : i32
    %while3A_78 = arith.addi %while3A_72, %while3A_77 : i32
    %while3A_79 = arith.constant 1 : i32
    %while3A_80 = scf.for %while3A_99 = %while3A_72 to %while3A_78 step %while3A_79 iter_args(%while3A_100 = %broadcast_in_dim3A_71) -> (vector<128x128xf32>)  : i32 {
      %mul3A_101 = arith.constant 16 : i32
      %mul3A_102 = arith.muli %while3A_99, %mul3A_101 : i32
      %add3A_103 = arith.addi %get3A_3, %mul3A_102 : i32
      %add3A_104 = arith.constant 0 : i32
      %add3A_105 = arith.addi %add3A_103, %add3A_104 : i32
      %min3A = arith.constant 499 : i32
      %min3A_106 = arith.minsi %add3A_105, %min3A : i32
      %get3A_107 = arith.index_cast %min3A_106 : i32 to index
      %get3A_108 = arith.constant 0 : index
      %get3A_109 = arith.constant 0 : index
      %get3A_110 = vector.load %arg7[%get3A_107, %get3A_108, %get3A_109] : memref<500x128x128xf32, #tpu.memory_space<vmem>>, vector<1x128x128xf32>
      %get3A_111 = vector.shape_cast %get3A_110 : vector<1x128x128xf32> to vector<128x128xf32>
      %convert_element_type3A_112 = arith.truncf %get3A_111 : vector<128x128xf32> to vector<128x128xbf16>
      %dot_general3A = arith.constant dense<0.000000e+00> : vector<128x128xf32>
      %dot_general3A_113 = tpu.matmul %convert_element_type3A_42, %convert_element_type3A_112, %dot_general3A {dimension_numbers = #tpu.dot_dimension_numbers<[1], [0], [0], [1], [0, 0, 1, 1], [], []>, transpose_lhs_hint = false} : vector<128x128xbf16>, vector<128x128xbf16>, vector<128x128xf32> -> vector<128x128xf32>
      %eq3A_114 = vector.broadcast %add3A_105 : i32 to vector<128x128xi32>
      %eq3A_115 = arith.cmpi eq, %broadcast_in_dim3A_41, %eq3A_114 : vector<128x128xi32>
      %select_n3A_116 = arith.select %eq3A_115, %dot_general3A_113, %while3A_100 : vector<128x128xi1>, vector<128x128xf32>
      %add3A_117 = arith.constant 1 : i32
      %add3A_118 = arith.addi %add3A_103, %add3A_117 : i32
      %min3A_119 = arith.constant 499 : i32
      %min3A_120 = arith.minsi %add3A_118, %min3A_119 : i32
      %get3A_121 = arith.index_cast %min3A_120 : i32 to index
      %get3A_122 = arith.constant 0 : index
      %get3A_123 = arith.constant 0 : index
      %get3A_124 = vector.load %arg7[%get3A_121, %get3A_122, %get3A_123] : memref<500x128x128xf32, #tpu.memory_space<vmem>>, vector<1x128x128xf32>
      %get3A_125 = vector.shape_cast %get3A_124 : vector<1x128x128xf32> to vector<128x128xf32>
      %convert_element_type3A_126 = arith.truncf %get3A_125 : vector<128x128xf32> to vector<128x128xbf16>
      %dot_general3A_127 = arith.constant dense<0.000000e+00> : vector<128x128xf32>
      %dot_general3A_128 = tpu.matmul %convert_element_type3A_42, %convert_element_type3A_126, %dot_general3A_127 {dimension_numbers = #tpu.dot_dimension_numbers<[1], [0], [0], [1], [0, 0, 1, 1], [], []>, transpose_lhs_hint = false} : vector<128x128xbf16>, vector<128x128xbf16>, vector<128x128xf32> -> vector<128x128xf32>
      %eq3A_129 = vector.broadcast %add3A_118 : i32 to vector<128x128xi32>
      %eq3A_130 = arith.cmpi eq, %broadcast_in_dim3A_41, %eq3A_129 : vector<128x128xi32>
      %select_n3A_131 = arith.select %eq3A_130, %dot_general3A_128, %select_n3A_116 : vector<128x128xi1>, vector<128x128xf32>
      %add3A_132 = arith.constant 2 : i32
      %add3A_133 = arith.addi %add3A_103, %add3A_132 : i32
      %min3A_134 = arith.constant 499 : i32
      %min3A_135 = arith.minsi %add3A_133, %min3A_134 : i32
      %get3A_136 = arith.index_cast %min3A_135 : i32 to index
      %get3A_137 = arith.constant 0 : index
      %get3A_138 = arith.constant 0 : index
      %get3A_139 = vector.load %arg7[%get3A_136, %get3A_137, %get3A_138] : memref<500x128x128xf32, #tpu.memory_space<vmem>>, vector<1x128x128xf32>
      %get3A_140 = vector.shape_cast %get3A_139 : vector<1x128x128xf32> to vector<128x128xf32>
      %convert_element_type3A_141 = arith.truncf %get3A_140 : vector<128x128xf32> to vector<128x128xbf16>
      %dot_general3A_142 = arith.constant dense<0.000000e+00> : vector<128x128xf32>
      %dot_general3A_143 = tpu.matmul %convert_element_type3A_42, %convert_element_type3A_141, %dot_general3A_142 {dimension_numbers = #tpu.dot_dimension_numbers<[1], [0], [0], [1], [0, 0, 1, 1], [], []>, transpose_lhs_hint = false} : vector<128x128xbf16>, vector<128x128xbf16>, vector<128x128xf32> -> vector<128x128xf32>
      %eq3A_144 = vector.broadcast %add3A_133 : i32 to vector<128x128xi32>
      %eq3A_145 = arith.cmpi eq, %broadcast_in_dim3A_41, %eq3A_144 : vector<128x128xi32>
      %select_n3A_146 = arith.select %eq3A_145, %dot_general3A_143, %select_n3A_131 : vector<128x128xi1>, vector<128x128xf32>
      %add3A_147 = arith.constant 3 : i32
      %add3A_148 = arith.addi %add3A_103, %add3A_147 : i32
      %min3A_149 = arith.constant 499 : i32
      %min3A_150 = arith.minsi %add3A_148, %min3A_149 : i32
      %get3A_151 = arith.index_cast %min3A_150 : i32 to index
      %get3A_152 = arith.constant 0 : index
      %get3A_153 = arith.constant 0 : index
      %get3A_154 = vector.load %arg7[%get3A_151, %get3A_152, %get3A_153] : memref<500x128x128xf32, #tpu.memory_space<vmem>>, vector<1x128x128xf32>
      %get3A_155 = vector.shape_cast %get3A_154 : vector<1x128x128xf32> to vector<128x128xf32>
      %convert_element_type3A_156 = arith.truncf %get3A_155 : vector<128x128xf32> to vector<128x128xbf16>
      %dot_general3A_157 = arith.constant dense<0.000000e+00> : vector<128x128xf32>
      %dot_general3A_158 = tpu.matmul %convert_element_type3A_42, %convert_element_type3A_156, %dot_general3A_157 {dimension_numbers = #tpu.dot_dimension_numbers<[1], [0], [0], [1], [0, 0, 1, 1], [], []>, transpose_lhs_hint = false} : vector<128x128xbf16>, vector<128x128xbf16>, vector<128x128xf32> -> vector<128x128xf32>
      %eq3A_159 = vector.broadcast %add3A_148 : i32 to vector<128x128xi32>
      %eq3A_160 = arith.cmpi eq, %broadcast_in_dim3A_41, %eq3A_159 : vector<128x128xi32>
      %select_n3A_161 = arith.select %eq3A_160, %dot_general3A_158, %select_n3A_146 : vector<128x128xi1>, vector<128x128xf32>
      %add3A_162 = arith.constant 4 : i32
      %add3A_163 = arith.addi %add3A_103, %add3A_162 : i32
      %min3A_164 = arith.constant 499 : i32
      %min3A_165 = arith.minsi %add3A_163, %min3A_164 : i32
      %get3A_166 = arith.index_cast %min3A_165 : i32 to index
      %get3A_167 = arith.constant 0 : index
      %get3A_168 = arith.constant 0 : index
      %get3A_169 = vector.load %arg7[%get3A_166, %get3A_167, %get3A_168] : memref<500x128x128xf32, #tpu.memory_space<vmem>>, vector<1x128x128xf32>
      %get3A_170 = vector.shape_cast %get3A_169 : vector<1x128x128xf32> to vector<128x128xf32>
      %convert_element_type3A_171 = arith.truncf %get3A_170 : vector<128x128xf32> to vector<128x128xbf16>
      %dot_general3A_172 = arith.constant dense<0.000000e+00> : vector<128x128xf32>
      %dot_general3A_173 = tpu.matmul %convert_element_type3A_42, %convert_element_type3A_171, %dot_general3A_172 {dimension_numbers = #tpu.dot_dimension_numbers<[1], [0], [0], [1], [0, 0, 1, 1], [], []>, transpose_lhs_hint = false} : vector<128x128xbf16>, vector<128x128xbf16>, vector<128x128xf32> -> vector<128x128xf32>
      %eq3A_174 = vector.broadcast %add3A_163 : i32 to vector<128x128xi32>
      %eq3A_175 = arith.cmpi eq, %broadcast_in_dim3A_41, %eq3A_174 : vector<128x128xi32>
      %select_n3A_176 = arith.select %eq3A_175, %dot_general3A_173, %select_n3A_161 : vector<128x128xi1>, vector<128x128xf32>
      %add3A_177 = arith.constant 5 : i32
      %add3A_178 = arith.addi %add3A_103, %add3A_177 : i32
      %min3A_179 = arith.constant 499 : i32
      %min3A_180 = arith.minsi %add3A_178, %min3A_179 : i32
      %get3A_181 = arith.index_cast %min3A_180 : i32 to index
      %get3A_182 = arith.constant 0 : index
      %get3A_183 = arith.constant 0 : index
      %get3A_184 = vector.load %arg7[%get3A_181, %get3A_182, %get3A_183] : memref<500x128x128xf32, #tpu.memory_space<vmem>>, vector<1x128x128xf32>
      %get3A_185 = vector.shape_cast %get3A_184 : vector<1x128x128xf32> to vector<128x128xf32>
      %convert_element_type3A_186 = arith.truncf %get3A_185 : vector<128x128xf32> to vector<128x128xbf16>
      %dot_general3A_187 = arith.constant dense<0.000000e+00> : vector<128x128xf32>
      %dot_general3A_188 = tpu.matmul %convert_element_type3A_42, %convert_element_type3A_186, %dot_general3A_187 {dimension_numbers = #tpu.dot_dimension_numbers<[1], [0], [0], [1], [0, 0, 1, 1], [], []>, transpose_lhs_hint = false} : vector<128x128xbf16>, vector<128x128xbf16>, vector<128x128xf32> -> vector<128x128xf32>
      %eq3A_189 = vector.broadcast %add3A_178 : i32 to vector<128x128xi32>
      %eq3A_190 = arith.cmpi eq, %broadcast_in_dim3A_41, %eq3A_189 : vector<128x128xi32>
      %select_n3A_191 = arith.select %eq3A_190, %dot_general3A_188, %select_n3A_176 : vector<128x128xi1>, vector<128x128xf32>
      %add3A_192 = arith.constant 6 : i32
      %add3A_193 = arith.addi %add3A_103, %add3A_192 : i32
      %min3A_194 = arith.constant 499 : i32
      %min3A_195 = arith.minsi %add3A_193, %min3A_194 : i32
      %get3A_196 = arith.index_cast %min3A_195 : i32 to index
      %get3A_197 = arith.constant 0 : index
      %get3A_198 = arith.constant 0 : index
      %get3A_199 = vector.load %arg7[%get3A_196, %get3A_197, %get3A_198] : memref<500x128x128xf32, #tpu.memory_space<vmem>>, vector<1x128x128xf32>
      %get3A_200 = vector.shape_cast %get3A_199 : vector<1x128x128xf32> to vector<128x128xf32>
      %convert_element_type3A_201 = arith.truncf %get3A_200 : vector<128x128xf32> to vector<128x128xbf16>
      %dot_general3A_202 = arith.constant dense<0.000000e+00> : vector<128x128xf32>
      %dot_general3A_203 = tpu.matmul %convert_element_type3A_42, %convert_element_type3A_201, %dot_general3A_202 {dimension_numbers = #tpu.dot_dimension_numbers<[1], [0], [0], [1], [0, 0, 1, 1], [], []>, transpose_lhs_hint = false} : vector<128x128xbf16>, vector<128x128xbf16>, vector<128x128xf32> -> vector<128x128xf32>
      %eq3A_204 = vector.broadcast %add3A_193 : i32 to vector<128x128xi32>
      %eq3A_205 = arith.cmpi eq, %broadcast_in_dim3A_41, %eq3A_204 : vector<128x128xi32>
      %select_n3A_206 = arith.select %eq3A_205, %dot_general3A_203, %select_n3A_191 : vector<128x128xi1>, vector<128x128xf32>
      %add3A_207 = arith.constant 7 : i32
      %add3A_208 = arith.addi %add3A_103, %add3A_207 : i32
      %min3A_209 = arith.constant 499 : i32
      %min3A_210 = arith.minsi %add3A_208, %min3A_209 : i32
      %get3A_211 = arith.index_cast %min3A_210 : i32 to index
      %get3A_212 = arith.constant 0 : index
      %get3A_213 = arith.constant 0 : index
      %get3A_214 = vector.load %arg7[%get3A_211, %get3A_212, %get3A_213] : memref<500x128x128xf32, #tpu.memory_space<vmem>>, vector<1x128x128xf32>
      %get3A_215 = vector.shape_cast %get3A_214 : vector<1x128x128xf32> to vector<128x128xf32>
      %convert_element_type3A_216 = arith.truncf %get3A_215 : vector<128x128xf32> to vector<128x128xbf16>
      %dot_general3A_217 = arith.constant dense<0.000000e+00> : vector<128x128xf32>
      %dot_general3A_218 = tpu.matmul %convert_element_type3A_42, %convert_element_type3A_216, %dot_general3A_217 {dimension_numbers = #tpu.dot_dimension_numbers<[1], [0], [0], [1], [0, 0, 1, 1], [], []>, transpose_lhs_hint = false} : vector<128x128xbf16>, vector<128x128xbf16>, vector<128x128xf32> -> vector<128x128xf32>
      %eq3A_219 = vector.broadcast %add3A_208 : i32 to vector<128x128xi32>
      %eq3A_220 = arith.cmpi eq, %broadcast_in_dim3A_41, %eq3A_219 : vector<128x128xi32>
      %select_n3A_221 = arith.select %eq3A_220, %dot_general3A_218, %select_n3A_206 : vector<128x128xi1>, vector<128x128xf32>
      %add3A_222 = arith.constant 8 : i32
      %add3A_223 = arith.addi %add3A_103, %add3A_222 : i32
      %min3A_224 = arith.constant 499 : i32
      %min3A_225 = arith.minsi %add3A_223, %min3A_224 : i32
      %get3A_226 = arith.index_cast %min3A_225 : i32 to index
      %get3A_227 = arith.constant 0 : index
      %get3A_228 = arith.constant 0 : index
      %get3A_229 = vector.load %arg7[%get3A_226, %get3A_227, %get3A_228] : memref<500x128x128xf32, #tpu.memory_space<vmem>>, vector<1x128x128xf32>
      %get3A_230 = vector.shape_cast %get3A_229 : vector<1x128x128xf32> to vector<128x128xf32>
      %convert_element_type3A_231 = arith.truncf %get3A_230 : vector<128x128xf32> to vector<128x128xbf16>
      %dot_general3A_232 = arith.constant dense<0.000000e+00> : vector<128x128xf32>
      %dot_general3A_233 = tpu.matmul %convert_element_type3A_42, %convert_element_type3A_231, %dot_general3A_232 {dimension_numbers = #tpu.dot_dimension_numbers<[1], [0], [0], [1], [0, 0, 1, 1], [], []>, transpose_lhs_hint = false} : vector<128x128xbf16>, vector<128x128xbf16>, vector<128x128xf32> -> vector<128x128xf32>
      %eq3A_234 = vector.broadcast %add3A_223 : i32 to vector<128x128xi32>
      %eq3A_235 = arith.cmpi eq, %broadcast_in_dim3A_41, %eq3A_234 : vector<128x128xi32>
      %select_n3A_236 = arith.select %eq3A_235, %dot_general3A_233, %select_n3A_221 : vector<128x128xi1>, vector<128x128xf32>
      %add3A_237 = arith.constant 9 : i32
      %add3A_238 = arith.addi %add3A_103, %add3A_237 : i32
      %min3A_239 = arith.constant 499 : i32
      %min3A_240 = arith.minsi %add3A_238, %min3A_239 : i32
      %get3A_241 = arith.index_cast %min3A_240 : i32 to index
      %get3A_242 = arith.constant 0 : index
      %get3A_243 = arith.constant 0 : index
      %get3A_244 = vector.load %arg7[%get3A_241, %get3A_242, %get3A_243] : memref<500x128x128xf32, #tpu.memory_space<vmem>>, vector<1x128x128xf32>
      %get3A_245 = vector.shape_cast %get3A_244 : vector<1x128x128xf32> to vector<128x128xf32>
      %convert_element_type3A_246 = arith.truncf %get3A_245 : vector<128x128xf32> to vector<128x128xbf16>
      %dot_general3A_247 = arith.constant dense<0.000000e+00> : vector<128x128xf32>
      %dot_general3A_248 = tpu.matmul %convert_element_type3A_42, %convert_element_type3A_246, %dot_general3A_247 {dimension_numbers = #tpu.dot_dimension_numbers<[1], [0], [0], [1], [0, 0, 1, 1], [], []>, transpose_lhs_hint = false} : vector<128x128xbf16>, vector<128x128xbf16>, vector<128x128xf32> -> vector<128x128xf32>
      %eq3A_249 = vector.broadcast %add3A_238 : i32 to vector<128x128xi32>
      %eq3A_250 = arith.cmpi eq, %broadcast_in_dim3A_41, %eq3A_249 : vector<128x128xi32>
      %select_n3A_251 = arith.select %eq3A_250, %dot_general3A_248, %select_n3A_236 : vector<128x128xi1>, vector<128x128xf32>
      %add3A_252 = arith.constant 10 : i32
      %add3A_253 = arith.addi %add3A_103, %add3A_252 : i32
      %min3A_254 = arith.constant 499 : i32
      %min3A_255 = arith.minsi %add3A_253, %min3A_254 : i32
      %get3A_256 = arith.index_cast %min3A_255 : i32 to index
      %get3A_257 = arith.constant 0 : index
      %get3A_258 = arith.constant 0 : index
      %get3A_259 = vector.load %arg7[%get3A_256, %get3A_257, %get3A_258] : memref<500x128x128xf32, #tpu.memory_space<vmem>>, vector<1x128x128xf32>
      %get3A_260 = vector.shape_cast %get3A_259 : vector<1x128x128xf32> to vector<128x128xf32>
      %convert_element_type3A_261 = arith.truncf %get3A_260 : vector<128x128xf32> to vector<128x128xbf16>
      %dot_general3A_262 = arith.constant dense<0.000000e+00> : vector<128x128xf32>
      %dot_general3A_263 = tpu.matmul %convert_element_type3A_42, %convert_element_type3A_261, %dot_general3A_262 {dimension_numbers = #tpu.dot_dimension_numbers<[1], [0], [0], [1], [0, 0, 1, 1], [], []>, transpose_lhs_hint = false} : vector<128x128xbf16>, vector<128x128xbf16>, vector<128x128xf32> -> vector<128x128xf32>
      %eq3A_264 = vector.broadcast %add3A_253 : i32 to vector<128x128xi32>
      %eq3A_265 = arith.cmpi eq, %broadcast_in_dim3A_41, %eq3A_264 : vector<128x128xi32>
      %select_n3A_266 = arith.select %eq3A_265, %dot_general3A_263, %select_n3A_251 : vector<128x128xi1>, vector<128x128xf32>
      %add3A_267 = arith.constant 11 : i32
      %add3A_268 = arith.addi %add3A_103, %add3A_267 : i32
      %min3A_269 = arith.constant 499 : i32
      %min3A_270 = arith.minsi %add3A_268, %min3A_269 : i32
      %get3A_271 = arith.index_cast %min3A_270 : i32 to index
      %get3A_272 = arith.constant 0 : index
      %get3A_273 = arith.constant 0 : index
      %get3A_274 = vector.load %arg7[%get3A_271, %get3A_272, %get3A_273] : memref<500x128x128xf32, #tpu.memory_space<vmem>>, vector<1x128x128xf32>
      %get3A_275 = vector.shape_cast %get3A_274 : vector<1x128x128xf32> to vector<128x128xf32>
      %convert_element_type3A_276 = arith.truncf %get3A_275 : vector<128x128xf32> to vector<128x128xbf16>
      %dot_general3A_277 = arith.constant dense<0.000000e+00> : vector<128x128xf32>
      %dot_general3A_278 = tpu.matmul %convert_element_type3A_42, %convert_element_type3A_276, %dot_general3A_277 {dimension_numbers = #tpu.dot_dimension_numbers<[1], [0], [0], [1], [0, 0, 1, 1], [], []>, transpose_lhs_hint = false} : vector<128x128xbf16>, vector<128x128xbf16>, vector<128x128xf32> -> vector<128x128xf32>
      %eq3A_279 = vector.broadcast %add3A_268 : i32 to vector<128x128xi32>
      %eq3A_280 = arith.cmpi eq, %broadcast_in_dim3A_41, %eq3A_279 : vector<128x128xi32>
      %select_n3A_281 = arith.select %eq3A_280, %dot_general3A_278, %select_n3A_266 : vector<128x128xi1>, vector<128x128xf32>
      %add3A_282 = arith.constant 12 : i32
      %add3A_283 = arith.addi %add3A_103, %add3A_282 : i32
      %min3A_284 = arith.constant 499 : i32
      %min3A_285 = arith.minsi %add3A_283, %min3A_284 : i32
      %get3A_286 = arith.index_cast %min3A_285 : i32 to index
      %get3A_287 = arith.constant 0 : index
      %get3A_288 = arith.constant 0 : index
      %get3A_289 = vector.load %arg7[%get3A_286, %get3A_287, %get3A_288] : memref<500x128x128xf32, #tpu.memory_space<vmem>>, vector<1x128x128xf32>
      %get3A_290 = vector.shape_cast %get3A_289 : vector<1x128x128xf32> to vector<128x128xf32>
      %convert_element_type3A_291 = arith.truncf %get3A_290 : vector<128x128xf32> to vector<128x128xbf16>
      %dot_general3A_292 = arith.constant dense<0.000000e+00> : vector<128x128xf32>
      %dot_general3A_293 = tpu.matmul %convert_element_type3A_42, %convert_element_type3A_291, %dot_general3A_292 {dimension_numbers = #tpu.dot_dimension_numbers<[1], [0], [0], [1], [0, 0, 1, 1], [], []>, transpose_lhs_hint = false} : vector<128x128xbf16>, vector<128x128xbf16>, vector<128x128xf32> -> vector<128x128xf32>
      %eq3A_294 = vector.broadcast %add3A_283 : i32 to vector<128x128xi32>
      %eq3A_295 = arith.cmpi eq, %broadcast_in_dim3A_41, %eq3A_294 : vector<128x128xi32>
      %select_n3A_296 = arith.select %eq3A_295, %dot_general3A_293, %select_n3A_281 : vector<128x128xi1>, vector<128x128xf32>
      %add3A_297 = arith.constant 13 : i32
      %add3A_298 = arith.addi %add3A_103, %add3A_297 : i32
      %min3A_299 = arith.constant 499 : i32
      %min3A_300 = arith.minsi %add3A_298, %min3A_299 : i32
      %get3A_301 = arith.index_cast %min3A_300 : i32 to index
      %get3A_302 = arith.constant 0 : index
      %get3A_303 = arith.constant 0 : index
      %get3A_304 = vector.load %arg7[%get3A_301, %get3A_302, %get3A_303] : memref<500x128x128xf32, #tpu.memory_space<vmem>>, vector<1x128x128xf32>
      %get3A_305 = vector.shape_cast %get3A_304 : vector<1x128x128xf32> to vector<128x128xf32>
      %convert_element_type3A_306 = arith.truncf %get3A_305 : vector<128x128xf32> to vector<128x128xbf16>
      %dot_general3A_307 = arith.constant dense<0.000000e+00> : vector<128x128xf32>
      %dot_general3A_308 = tpu.matmul %convert_element_type3A_42, %convert_element_type3A_306, %dot_general3A_307 {dimension_numbers = #tpu.dot_dimension_numbers<[1], [0], [0], [1], [0, 0, 1, 1], [], []>, transpose_lhs_hint = false} : vector<128x128xbf16>, vector<128x128xbf16>, vector<128x128xf32> -> vector<128x128xf32>
      %eq3A_309 = vector.broadcast %add3A_298 : i32 to vector<128x128xi32>
      %eq3A_310 = arith.cmpi eq, %broadcast_in_dim3A_41, %eq3A_309 : vector<128x128xi32>
      %select_n3A_311 = arith.select %eq3A_310, %dot_general3A_308, %select_n3A_296 : vector<128x128xi1>, vector<128x128xf32>
      %add3A_312 = arith.constant 14 : i32
      %add3A_313 = arith.addi %add3A_103, %add3A_312 : i32
      %min3A_314 = arith.constant 499 : i32
      %min3A_315 = arith.minsi %add3A_313, %min3A_314 : i32
      %get3A_316 = arith.index_cast %min3A_315 : i32 to index
      %get3A_317 = arith.constant 0 : index
      %get3A_318 = arith.constant 0 : index
      %get3A_319 = vector.load %arg7[%get3A_316, %get3A_317, %get3A_318] : memref<500x128x128xf32, #tpu.memory_space<vmem>>, vector<1x128x128xf32>
      %get3A_320 = vector.shape_cast %get3A_319 : vector<1x128x128xf32> to vector<128x128xf32>
      %convert_element_type3A_321 = arith.truncf %get3A_320 : vector<128x128xf32> to vector<128x128xbf16>
      %dot_general3A_322 = arith.constant dense<0.000000e+00> : vector<128x128xf32>
      %dot_general3A_323 = tpu.matmul %convert_element_type3A_42, %convert_element_type3A_321, %dot_general3A_322 {dimension_numbers = #tpu.dot_dimension_numbers<[1], [0], [0], [1], [0, 0, 1, 1], [], []>, transpose_lhs_hint = false} : vector<128x128xbf16>, vector<128x128xbf16>, vector<128x128xf32> -> vector<128x128xf32>
      %eq3A_324 = vector.broadcast %add3A_313 : i32 to vector<128x128xi32>
      %eq3A_325 = arith.cmpi eq, %broadcast_in_dim3A_41, %eq3A_324 : vector<128x128xi32>
      %select_n3A_326 = arith.select %eq3A_325, %dot_general3A_323, %select_n3A_311 : vector<128x128xi1>, vector<128x128xf32>
      %add3A_327 = arith.constant 15 : i32
      %add3A_328 = arith.addi %add3A_103, %add3A_327 : i32
      %min3A_329 = arith.constant 499 : i32
      %min3A_330 = arith.minsi %add3A_328, %min3A_329 : i32
      %get3A_331 = arith.index_cast %min3A_330 : i32 to index
      %get3A_332 = arith.constant 0 : index
      %get3A_333 = arith.constant 0 : index
      %get3A_334 = vector.load %arg7[%get3A_331, %get3A_332, %get3A_333] : memref<500x128x128xf32, #tpu.memory_space<vmem>>, vector<1x128x128xf32>
      %get3A_335 = vector.shape_cast %get3A_334 : vector<1x128x128xf32> to vector<128x128xf32>
      %convert_element_type3A_336 = arith.truncf %get3A_335 : vector<128x128xf32> to vector<128x128xbf16>
      %dot_general3A_337 = arith.constant dense<0.000000e+00> : vector<128x128xf32>
      %dot_general3A_338 = tpu.matmul %convert_element_type3A_42, %convert_element_type3A_336, %dot_general3A_337 {dimension_numbers = #tpu.dot_dimension_numbers<[1], [0], [0], [1], [0, 0, 1, 1], [], []>, transpose_lhs_hint = false} : vector<128x128xbf16>, vector<128x128xbf16>, vector<128x128xf32> -> vector<128x128xf32>
      %eq3A_339 = vector.broadcast %add3A_328 : i32 to vector<128x128xi32>
      %eq3A_340 = arith.cmpi eq, %broadcast_in_dim3A_41, %eq3A_339 : vector<128x128xi32>
      %select_n3A_341 = arith.select %eq3A_340, %dot_general3A_338, %select_n3A_326 : vector<128x128xi1>, vector<128x128xf32>
      scf.yield %select_n3A_341 : vector<128x128xf32>
    }
    %while3A_81 = arith.constant 1 : i32
    %while3A_82 = scf.for %while3A_99 = %while3A_78 to %while3A_74 step %while3A_81 iter_args(%while3A_100 = %while3A_80) -> (vector<128x128xf32>)  : i32 {
      %mul3A_101 = arith.constant 16 : i32
      %mul3A_102 = arith.muli %while3A_99, %mul3A_101 : i32
      %add3A_103 = arith.addi %get3A_3, %mul3A_102 : i32
      %add3A_104 = arith.constant 0 : i32
      %add3A_105 = arith.addi %add3A_103, %add3A_104 : i32
      %min3A = arith.constant 499 : i32
      %min3A_106 = arith.minsi %add3A_105, %min3A : i32
      %get3A_107 = arith.index_cast %min3A_106 : i32 to index
      %get3A_108 = arith.constant 0 : index
      %get3A_109 = arith.constant 0 : index
      %get3A_110 = vector.load %arg7[%get3A_107, %get3A_108, %get3A_109] : memref<500x128x128xf32, #tpu.memory_space<vmem>>, vector<1x128x128xf32>
      %get3A_111 = vector.shape_cast %get3A_110 : vector<1x128x128xf32> to vector<128x128xf32>
      %convert_element_type3A_112 = arith.truncf %get3A_111 : vector<128x128xf32> to vector<128x128xbf16>
      %dot_general3A = arith.constant dense<0.000000e+00> : vector<128x128xf32>
      %dot_general3A_113 = tpu.matmul %convert_element_type3A_42, %convert_element_type3A_112, %dot_general3A {dimension_numbers = #tpu.dot_dimension_numbers<[1], [0], [0], [1], [0, 0, 1, 1], [], []>, transpose_lhs_hint = false} : vector<128x128xbf16>, vector<128x128xbf16>, vector<128x128xf32> -> vector<128x128xf32>
      %eq3A_114 = vector.broadcast %add3A_105 : i32 to vector<128x128xi32>
      %eq3A_115 = arith.cmpi eq, %broadcast_in_dim3A_41, %eq3A_114 : vector<128x128xi32>
      %select_n3A_116 = arith.select %eq3A_115, %dot_general3A_113, %while3A_100 : vector<128x128xi1>, vector<128x128xf32>
      %add3A_117 = arith.constant 1 : i32
      %add3A_118 = arith.addi %add3A_103, %add3A_117 : i32
      %min3A_119 = arith.constant 499 : i32
      %min3A_120 = arith.minsi %add3A_118, %min3A_119 : i32
      %get3A_121 = arith.index_cast %min3A_120 : i32 to index
      %get3A_122 = arith.constant 0 : index
      %get3A_123 = arith.constant 0 : index
      %get3A_124 = vector.load %arg7[%get3A_121, %get3A_122, %get3A_123] : memref<500x128x128xf32, #tpu.memory_space<vmem>>, vector<1x128x128xf32>
      %get3A_125 = vector.shape_cast %get3A_124 : vector<1x128x128xf32> to vector<128x128xf32>
      %convert_element_type3A_126 = arith.truncf %get3A_125 : vector<128x128xf32> to vector<128x128xbf16>
      %dot_general3A_127 = arith.constant dense<0.000000e+00> : vector<128x128xf32>
      %dot_general3A_128 = tpu.matmul %convert_element_type3A_42, %convert_element_type3A_126, %dot_general3A_127 {dimension_numbers = #tpu.dot_dimension_numbers<[1], [0], [0], [1], [0, 0, 1, 1], [], []>, transpose_lhs_hint = false} : vector<128x128xbf16>, vector<128x128xbf16>, vector<128x128xf32> -> vector<128x128xf32>
      %eq3A_129 = vector.broadcast %add3A_118 : i32 to vector<128x128xi32>
      %eq3A_130 = arith.cmpi eq, %broadcast_in_dim3A_41, %eq3A_129 : vector<128x128xi32>
      %select_n3A_131 = arith.select %eq3A_130, %dot_general3A_128, %select_n3A_116 : vector<128x128xi1>, vector<128x128xf32>
      %add3A_132 = arith.constant 2 : i32
      %add3A_133 = arith.addi %add3A_103, %add3A_132 : i32
      %min3A_134 = arith.constant 499 : i32
      %min3A_135 = arith.minsi %add3A_133, %min3A_134 : i32
      %get3A_136 = arith.index_cast %min3A_135 : i32 to index
      %get3A_137 = arith.constant 0 : index
      %get3A_138 = arith.constant 0 : index
      %get3A_139 = vector.load %arg7[%get3A_136, %get3A_137, %get3A_138] : memref<500x128x128xf32, #tpu.memory_space<vmem>>, vector<1x128x128xf32>
      %get3A_140 = vector.shape_cast %get3A_139 : vector<1x128x128xf32> to vector<128x128xf32>
      %convert_element_type3A_141 = arith.truncf %get3A_140 : vector<128x128xf32> to vector<128x128xbf16>
      %dot_general3A_142 = arith.constant dense<0.000000e+00> : vector<128x128xf32>
      %dot_general3A_143 = tpu.matmul %convert_element_type3A_42, %convert_element_type3A_141, %dot_general3A_142 {dimension_numbers = #tpu.dot_dimension_numbers<[1], [0], [0], [1], [0, 0, 1, 1], [], []>, transpose_lhs_hint = false} : vector<128x128xbf16>, vector<128x128xbf16>, vector<128x128xf32> -> vector<128x128xf32>
      %eq3A_144 = vector.broadcast %add3A_133 : i32 to vector<128x128xi32>
      %eq3A_145 = arith.cmpi eq, %broadcast_in_dim3A_41, %eq3A_144 : vector<128x128xi32>
      %select_n3A_146 = arith.select %eq3A_145, %dot_general3A_143, %select_n3A_131 : vector<128x128xi1>, vector<128x128xf32>
      %add3A_147 = arith.constant 3 : i32
      %add3A_148 = arith.addi %add3A_103, %add3A_147 : i32
      %min3A_149 = arith.constant 499 : i32
      %min3A_150 = arith.minsi %add3A_148, %min3A_149 : i32
      %get3A_151 = arith.index_cast %min3A_150 : i32 to index
      %get3A_152 = arith.constant 0 : index
      %get3A_153 = arith.constant 0 : index
      %get3A_154 = vector.load %arg7[%get3A_151, %get3A_152, %get3A_153] : memref<500x128x128xf32, #tpu.memory_space<vmem>>, vector<1x128x128xf32>
      %get3A_155 = vector.shape_cast %get3A_154 : vector<1x128x128xf32> to vector<128x128xf32>
      %convert_element_type3A_156 = arith.truncf %get3A_155 : vector<128x128xf32> to vector<128x128xbf16>
      %dot_general3A_157 = arith.constant dense<0.000000e+00> : vector<128x128xf32>
      %dot_general3A_158 = tpu.matmul %convert_element_type3A_42, %convert_element_type3A_156, %dot_general3A_157 {dimension_numbers = #tpu.dot_dimension_numbers<[1], [0], [0], [1], [0, 0, 1, 1], [], []>, transpose_lhs_hint = false} : vector<128x128xbf16>, vector<128x128xbf16>, vector<128x128xf32> -> vector<128x128xf32>
      %eq3A_159 = vector.broadcast %add3A_148 : i32 to vector<128x128xi32>
      %eq3A_160 = arith.cmpi eq, %broadcast_in_dim3A_41, %eq3A_159 : vector<128x128xi32>
      %select_n3A_161 = arith.select %eq3A_160, %dot_general3A_158, %select_n3A_146 : vector<128x128xi1>, vector<128x128xf32>
      %add3A_162 = arith.constant 4 : i32
      %add3A_163 = arith.addi %add3A_103, %add3A_162 : i32
      %min3A_164 = arith.constant 499 : i32
      %min3A_165 = arith.minsi %add3A_163, %min3A_164 : i32
      %get3A_166 = arith.index_cast %min3A_165 : i32 to index
      %get3A_167 = arith.constant 0 : index
      %get3A_168 = arith.constant 0 : index
      %get3A_169 = vector.load %arg7[%get3A_166, %get3A_167, %get3A_168] : memref<500x128x128xf32, #tpu.memory_space<vmem>>, vector<1x128x128xf32>
      %get3A_170 = vector.shape_cast %get3A_169 : vector<1x128x128xf32> to vector<128x128xf32>
      %convert_element_type3A_171 = arith.truncf %get3A_170 : vector<128x128xf32> to vector<128x128xbf16>
      %dot_general3A_172 = arith.constant dense<0.000000e+00> : vector<128x128xf32>
      %dot_general3A_173 = tpu.matmul %convert_element_type3A_42, %convert_element_type3A_171, %dot_general3A_172 {dimension_numbers = #tpu.dot_dimension_numbers<[1], [0], [0], [1], [0, 0, 1, 1], [], []>, transpose_lhs_hint = false} : vector<128x128xbf16>, vector<128x128xbf16>, vector<128x128xf32> -> vector<128x128xf32>
      %eq3A_174 = vector.broadcast %add3A_163 : i32 to vector<128x128xi32>
      %eq3A_175 = arith.cmpi eq, %broadcast_in_dim3A_41, %eq3A_174 : vector<128x128xi32>
      %select_n3A_176 = arith.select %eq3A_175, %dot_general3A_173, %select_n3A_161 : vector<128x128xi1>, vector<128x128xf32>
      %add3A_177 = arith.constant 5 : i32
      %add3A_178 = arith.addi %add3A_103, %add3A_177 : i32
      %min3A_179 = arith.constant 499 : i32
      %min3A_180 = arith.minsi %add3A_178, %min3A_179 : i32
      %get3A_181 = arith.index_cast %min3A_180 : i32 to index
      %get3A_182 = arith.constant 0 : index
      %get3A_183 = arith.constant 0 : index
      %get3A_184 = vector.load %arg7[%get3A_181, %get3A_182, %get3A_183] : memref<500x128x128xf32, #tpu.memory_space<vmem>>, vector<1x128x128xf32>
      %get3A_185 = vector.shape_cast %get3A_184 : vector<1x128x128xf32> to vector<128x128xf32>
      %convert_element_type3A_186 = arith.truncf %get3A_185 : vector<128x128xf32> to vector<128x128xbf16>
      %dot_general3A_187 = arith.constant dense<0.000000e+00> : vector<128x128xf32>
      %dot_general3A_188 = tpu.matmul %convert_element_type3A_42, %convert_element_type3A_186, %dot_general3A_187 {dimension_numbers = #tpu.dot_dimension_numbers<[1], [0], [0], [1], [0, 0, 1, 1], [], []>, transpose_lhs_hint = false} : vector<128x128xbf16>, vector<128x128xbf16>, vector<128x128xf32> -> vector<128x128xf32>
      %eq3A_189 = vector.broadcast %add3A_178 : i32 to vector<128x128xi32>
      %eq3A_190 = arith.cmpi eq, %broadcast_in_dim3A_41, %eq3A_189 : vector<128x128xi32>
      %select_n3A_191 = arith.select %eq3A_190, %dot_general3A_188, %select_n3A_176 : vector<128x128xi1>, vector<128x128xf32>
      %add3A_192 = arith.constant 6 : i32
      %add3A_193 = arith.addi %add3A_103, %add3A_192 : i32
      %min3A_194 = arith.constant 499 : i32
      %min3A_195 = arith.minsi %add3A_193, %min3A_194 : i32
      %get3A_196 = arith.index_cast %min3A_195 : i32 to index
      %get3A_197 = arith.constant 0 : index
      %get3A_198 = arith.constant 0 : index
      %get3A_199 = vector.load %arg7[%get3A_196, %get3A_197, %get3A_198] : memref<500x128x128xf32, #tpu.memory_space<vmem>>, vector<1x128x128xf32>
      %get3A_200 = vector.shape_cast %get3A_199 : vector<1x128x128xf32> to vector<128x128xf32>
      %convert_element_type3A_201 = arith.truncf %get3A_200 : vector<128x128xf32> to vector<128x128xbf16>
      %dot_general3A_202 = arith.constant dense<0.000000e+00> : vector<128x128xf32>
      %dot_general3A_203 = tpu.matmul %convert_element_type3A_42, %convert_element_type3A_201, %dot_general3A_202 {dimension_numbers = #tpu.dot_dimension_numbers<[1], [0], [0], [1], [0, 0, 1, 1], [], []>, transpose_lhs_hint = false} : vector<128x128xbf16>, vector<128x128xbf16>, vector<128x128xf32> -> vector<128x128xf32>
      %eq3A_204 = vector.broadcast %add3A_193 : i32 to vector<128x128xi32>
      %eq3A_205 = arith.cmpi eq, %broadcast_in_dim3A_41, %eq3A_204 : vector<128x128xi32>
      %select_n3A_206 = arith.select %eq3A_205, %dot_general3A_203, %select_n3A_191 : vector<128x128xi1>, vector<128x128xf32>
      %add3A_207 = arith.constant 7 : i32
      %add3A_208 = arith.addi %add3A_103, %add3A_207 : i32
      %min3A_209 = arith.constant 499 : i32
      %min3A_210 = arith.minsi %add3A_208, %min3A_209 : i32
      %get3A_211 = arith.index_cast %min3A_210 : i32 to index
      %get3A_212 = arith.constant 0 : index
      %get3A_213 = arith.constant 0 : index
      %get3A_214 = vector.load %arg7[%get3A_211, %get3A_212, %get3A_213] : memref<500x128x128xf32, #tpu.memory_space<vmem>>, vector<1x128x128xf32>
      %get3A_215 = vector.shape_cast %get3A_214 : vector<1x128x128xf32> to vector<128x128xf32>
      %convert_element_type3A_216 = arith.truncf %get3A_215 : vector<128x128xf32> to vector<128x128xbf16>
      %dot_general3A_217 = arith.constant dense<0.000000e+00> : vector<128x128xf32>
      %dot_general3A_218 = tpu.matmul %convert_element_type3A_42, %convert_element_type3A_216, %dot_general3A_217 {dimension_numbers = #tpu.dot_dimension_numbers<[1], [0], [0], [1], [0, 0, 1, 1], [], []>, transpose_lhs_hint = false} : vector<128x128xbf16>, vector<128x128xbf16>, vector<128x128xf32> -> vector<128x128xf32>
      %eq3A_219 = vector.broadcast %add3A_208 : i32 to vector<128x128xi32>
      %eq3A_220 = arith.cmpi eq, %broadcast_in_dim3A_41, %eq3A_219 : vector<128x128xi32>
      %select_n3A_221 = arith.select %eq3A_220, %dot_general3A_218, %select_n3A_206 : vector<128x128xi1>, vector<128x128xf32>
      %add3A_222 = arith.constant 8 : i32
      %add3A_223 = arith.addi %add3A_103, %add3A_222 : i32
      %min3A_224 = arith.constant 499 : i32
      %min3A_225 = arith.minsi %add3A_223, %min3A_224 : i32
      %get3A_226 = arith.index_cast %min3A_225 : i32 to index
      %get3A_227 = arith.constant 0 : index
      %get3A_228 = arith.constant 0 : index
      %get3A_229 = vector.load %arg7[%get3A_226, %get3A_227, %get3A_228] : memref<500x128x128xf32, #tpu.memory_space<vmem>>, vector<1x128x128xf32>
      %get3A_230 = vector.shape_cast %get3A_229 : vector<1x128x128xf32> to vector<128x128xf32>
      %convert_element_type3A_231 = arith.truncf %get3A_230 : vector<128x128xf32> to vector<128x128xbf16>
      %dot_general3A_232 = arith.constant dense<0.000000e+00> : vector<128x128xf32>
      %dot_general3A_233 = tpu.matmul %convert_element_type3A_42, %convert_element_type3A_231, %dot_general3A_232 {dimension_numbers = #tpu.dot_dimension_numbers<[1], [0], [0], [1], [0, 0, 1, 1], [], []>, transpose_lhs_hint = false} : vector<128x128xbf16>, vector<128x128xbf16>, vector<128x128xf32> -> vector<128x128xf32>
      %eq3A_234 = vector.broadcast %add3A_223 : i32 to vector<128x128xi32>
      %eq3A_235 = arith.cmpi eq, %broadcast_in_dim3A_41, %eq3A_234 : vector<128x128xi32>
      %select_n3A_236 = arith.select %eq3A_235, %dot_general3A_233, %select_n3A_221 : vector<128x128xi1>, vector<128x128xf32>
      %add3A_237 = arith.constant 9 : i32
      %add3A_238 = arith.addi %add3A_103, %add3A_237 : i32
      %min3A_239 = arith.constant 499 : i32
      %min3A_240 = arith.minsi %add3A_238, %min3A_239 : i32
      %get3A_241 = arith.index_cast %min3A_240 : i32 to index
      %get3A_242 = arith.constant 0 : index
      %get3A_243 = arith.constant 0 : index
      %get3A_244 = vector.load %arg7[%get3A_241, %get3A_242, %get3A_243] : memref<500x128x128xf32, #tpu.memory_space<vmem>>, vector<1x128x128xf32>
      %get3A_245 = vector.shape_cast %get3A_244 : vector<1x128x128xf32> to vector<128x128xf32>
      %convert_element_type3A_246 = arith.truncf %get3A_245 : vector<128x128xf32> to vector<128x128xbf16>
      %dot_general3A_247 = arith.constant dense<0.000000e+00> : vector<128x128xf32>
      %dot_general3A_248 = tpu.matmul %convert_element_type3A_42, %convert_element_type3A_246, %dot_general3A_247 {dimension_numbers = #tpu.dot_dimension_numbers<[1], [0], [0], [1], [0, 0, 1, 1], [], []>, transpose_lhs_hint = false} : vector<128x128xbf16>, vector<128x128xbf16>, vector<128x128xf32> -> vector<128x128xf32>
      %eq3A_249 = vector.broadcast %add3A_238 : i32 to vector<128x128xi32>
      %eq3A_250 = arith.cmpi eq, %broadcast_in_dim3A_41, %eq3A_249 : vector<128x128xi32>
      %select_n3A_251 = arith.select %eq3A_250, %dot_general3A_248, %select_n3A_236 : vector<128x128xi1>, vector<128x128xf32>
      %add3A_252 = arith.constant 10 : i32
      %add3A_253 = arith.addi %add3A_103, %add3A_252 : i32
      %min3A_254 = arith.constant 499 : i32
      %min3A_255 = arith.minsi %add3A_253, %min3A_254 : i32
      %get3A_256 = arith.index_cast %min3A_255 : i32 to index
      %get3A_257 = arith.constant 0 : index
      %get3A_258 = arith.constant 0 : index
      %get3A_259 = vector.load %arg7[%get3A_256, %get3A_257, %get3A_258] : memref<500x128x128xf32, #tpu.memory_space<vmem>>, vector<1x128x128xf32>
      %get3A_260 = vector.shape_cast %get3A_259 : vector<1x128x128xf32> to vector<128x128xf32>
      %convert_element_type3A_261 = arith.truncf %get3A_260 : vector<128x128xf32> to vector<128x128xbf16>
      %dot_general3A_262 = arith.constant dense<0.000000e+00> : vector<128x128xf32>
      %dot_general3A_263 = tpu.matmul %convert_element_type3A_42, %convert_element_type3A_261, %dot_general3A_262 {dimension_numbers = #tpu.dot_dimension_numbers<[1], [0], [0], [1], [0, 0, 1, 1], [], []>, transpose_lhs_hint = false} : vector<128x128xbf16>, vector<128x128xbf16>, vector<128x128xf32> -> vector<128x128xf32>
      %eq3A_264 = vector.broadcast %add3A_253 : i32 to vector<128x128xi32>
      %eq3A_265 = arith.cmpi eq, %broadcast_in_dim3A_41, %eq3A_264 : vector<128x128xi32>
      %select_n3A_266 = arith.select %eq3A_265, %dot_general3A_263, %select_n3A_251 : vector<128x128xi1>, vector<128x128xf32>
      %add3A_267 = arith.constant 11 : i32
      %add3A_268 = arith.addi %add3A_103, %add3A_267 : i32
      %min3A_269 = arith.constant 499 : i32
      %min3A_270 = arith.minsi %add3A_268, %min3A_269 : i32
      %get3A_271 = arith.index_cast %min3A_270 : i32 to index
      %get3A_272 = arith.constant 0 : index
      %get3A_273 = arith.constant 0 : index
      %get3A_274 = vector.load %arg7[%get3A_271, %get3A_272, %get3A_273] : memref<500x128x128xf32, #tpu.memory_space<vmem>>, vector<1x128x128xf32>
      %get3A_275 = vector.shape_cast %get3A_274 : vector<1x128x128xf32> to vector<128x128xf32>
      %convert_element_type3A_276 = arith.truncf %get3A_275 : vector<128x128xf32> to vector<128x128xbf16>
      %dot_general3A_277 = arith.constant dense<0.000000e+00> : vector<128x128xf32>
      %dot_general3A_278 = tpu.matmul %convert_element_type3A_42, %convert_element_type3A_276, %dot_general3A_277 {dimension_numbers = #tpu.dot_dimension_numbers<[1], [0], [0], [1], [0, 0, 1, 1], [], []>, transpose_lhs_hint = false} : vector<128x128xbf16>, vector<128x128xbf16>, vector<128x128xf32> -> vector<128x128xf32>
      %eq3A_279 = vector.broadcast %add3A_268 : i32 to vector<128x128xi32>
      %eq3A_280 = arith.cmpi eq, %broadcast_in_dim3A_41, %eq3A_279 : vector<128x128xi32>
      %select_n3A_281 = arith.select %eq3A_280, %dot_general3A_278, %select_n3A_266 : vector<128x128xi1>, vector<128x128xf32>
      %add3A_282 = arith.constant 12 : i32
      %add3A_283 = arith.addi %add3A_103, %add3A_282 : i32
      %min3A_284 = arith.constant 499 : i32
      %min3A_285 = arith.minsi %add3A_283, %min3A_284 : i32
      %get3A_286 = arith.index_cast %min3A_285 : i32 to index
      %get3A_287 = arith.constant 0 : index
      %get3A_288 = arith.constant 0 : index
      %get3A_289 = vector.load %arg7[%get3A_286, %get3A_287, %get3A_288] : memref<500x128x128xf32, #tpu.memory_space<vmem>>, vector<1x128x128xf32>
      %get3A_290 = vector.shape_cast %get3A_289 : vector<1x128x128xf32> to vector<128x128xf32>
      %convert_element_type3A_291 = arith.truncf %get3A_290 : vector<128x128xf32> to vector<128x128xbf16>
      %dot_general3A_292 = arith.constant dense<0.000000e+00> : vector<128x128xf32>
      %dot_general3A_293 = tpu.matmul %convert_element_type3A_42, %convert_element_type3A_291, %dot_general3A_292 {dimension_numbers = #tpu.dot_dimension_numbers<[1], [0], [0], [1], [0, 0, 1, 1], [], []>, transpose_lhs_hint = false} : vector<128x128xbf16>, vector<128x128xbf16>, vector<128x128xf32> -> vector<128x128xf32>
      %eq3A_294 = vector.broadcast %add3A_283 : i32 to vector<128x128xi32>
      %eq3A_295 = arith.cmpi eq, %broadcast_in_dim3A_41, %eq3A_294 : vector<128x128xi32>
      %select_n3A_296 = arith.select %eq3A_295, %dot_general3A_293, %select_n3A_281 : vector<128x128xi1>, vector<128x128xf32>
      %add3A_297 = arith.constant 13 : i32
      %add3A_298 = arith.addi %add3A_103, %add3A_297 : i32
      %min3A_299 = arith.constant 499 : i32
      %min3A_300 = arith.minsi %add3A_298, %min3A_299 : i32
      %get3A_301 = arith.index_cast %min3A_300 : i32 to index
      %get3A_302 = arith.constant 0 : index
      %get3A_303 = arith.constant 0 : index
      %get3A_304 = vector.load %arg7[%get3A_301, %get3A_302, %get3A_303] : memref<500x128x128xf32, #tpu.memory_space<vmem>>, vector<1x128x128xf32>
      %get3A_305 = vector.shape_cast %get3A_304 : vector<1x128x128xf32> to vector<128x128xf32>
      %convert_element_type3A_306 = arith.truncf %get3A_305 : vector<128x128xf32> to vector<128x128xbf16>
      %dot_general3A_307 = arith.constant dense<0.000000e+00> : vector<128x128xf32>
      %dot_general3A_308 = tpu.matmul %convert_element_type3A_42, %convert_element_type3A_306, %dot_general3A_307 {dimension_numbers = #tpu.dot_dimension_numbers<[1], [0], [0], [1], [0, 0, 1, 1], [], []>, transpose_lhs_hint = false} : vector<128x128xbf16>, vector<128x128xbf16>, vector<128x128xf32> -> vector<128x128xf32>
      %eq3A_309 = vector.broadcast %add3A_298 : i32 to vector<128x128xi32>
      %eq3A_310 = arith.cmpi eq, %broadcast_in_dim3A_41, %eq3A_309 : vector<128x128xi32>
      %select_n3A_311 = arith.select %eq3A_310, %dot_general3A_308, %select_n3A_296 : vector<128x128xi1>, vector<128x128xf32>
      %add3A_312 = arith.constant 14 : i32
      %add3A_313 = arith.addi %add3A_103, %add3A_312 : i32
      %min3A_314 = arith.constant 499 : i32
      %min3A_315 = arith.minsi %add3A_313, %min3A_314 : i32
      %get3A_316 = arith.index_cast %min3A_315 : i32 to index
      %get3A_317 = arith.constant 0 : index
      %get3A_318 = arith.constant 0 : index
      %get3A_319 = vector.load %arg7[%get3A_316, %get3A_317, %get3A_318] : memref<500x128x128xf32, #tpu.memory_space<vmem>>, vector<1x128x128xf32>
      %get3A_320 = vector.shape_cast %get3A_319 : vector<1x128x128xf32> to vector<128x128xf32>
      %convert_element_type3A_321 = arith.truncf %get3A_320 : vector<128x128xf32> to vector<128x128xbf16>
      %dot_general3A_322 = arith.constant dense<0.000000e+00> : vector<128x128xf32>
      %dot_general3A_323 = tpu.matmul %convert_element_type3A_42, %convert_element_type3A_321, %dot_general3A_322 {dimension_numbers = #tpu.dot_dimension_numbers<[1], [0], [0], [1], [0, 0, 1, 1], [], []>, transpose_lhs_hint = false} : vector<128x128xbf16>, vector<128x128xbf16>, vector<128x128xf32> -> vector<128x128xf32>
      %eq3A_324 = vector.broadcast %add3A_313 : i32 to vector<128x128xi32>
      %eq3A_325 = arith.cmpi eq, %broadcast_in_dim3A_41, %eq3A_324 : vector<128x128xi32>
      %select_n3A_326 = arith.select %eq3A_325, %dot_general3A_323, %select_n3A_311 : vector<128x128xi1>, vector<128x128xf32>
      %add3A_327 = arith.constant 15 : i32
      %add3A_328 = arith.addi %add3A_103, %add3A_327 : i32
      %min3A_329 = arith.constant 499 : i32
      %min3A_330 = arith.minsi %add3A_328, %min3A_329 : i32
      %get3A_331 = arith.index_cast %min3A_330 : i32 to index
      %get3A_332 = arith.constant 0 : index
      %get3A_333 = arith.constant 0 : index
      %get3A_334 = vector.load %arg7[%get3A_331, %get3A_332, %get3A_333] : memref<500x128x128xf32, #tpu.memory_space<vmem>>, vector<1x128x128xf32>
      %get3A_335 = vector.shape_cast %get3A_334 : vector<1x128x128xf32> to vector<128x128xf32>
      %convert_element_type3A_336 = arith.truncf %get3A_335 : vector<128x128xf32> to vector<128x128xbf16>
      %dot_general3A_337 = arith.constant dense<0.000000e+00> : vector<128x128xf32>
      %dot_general3A_338 = tpu.matmul %convert_element_type3A_42, %convert_element_type3A_336, %dot_general3A_337 {dimension_numbers = #tpu.dot_dimension_numbers<[1], [0], [0], [1], [0, 0, 1, 1], [], []>, transpose_lhs_hint = false} : vector<128x128xbf16>, vector<128x128xbf16>, vector<128x128xf32> -> vector<128x128xf32>
      %eq3A_339 = vector.broadcast %add3A_328 : i32 to vector<128x128xi32>
      %eq3A_340 = arith.cmpi eq, %broadcast_in_dim3A_41, %eq3A_339 : vector<128x128xi32>
      %select_n3A_341 = arith.select %eq3A_340, %dot_general3A_338, %select_n3A_326 : vector<128x128xi1>, vector<128x128xf32>
      scf.yield %select_n3A_341 : vector<128x128xf32>
    }
    %mul3A_83 = arith.mulf %get3A_34, %get3A_34 : vector<128x128xf32>
    %reduce_sum3A = arith.constant dense<0.000000e+00> : vector<128xf32>
    %reduce_sum3A_84 = vector.multi_reduction <add>, %mul3A_83, %reduce_sum3A [1] : vector<128x128xf32> to vector<128xf32>
    %broadcast_in_dim3A_85 = vector.shape_cast %reduce_sum3A_84 : vector<128xf32> to vector<128x1xf32>
    %mul3A_86 = arith.mulf %get3A_37, %get3A_37 : vector<128x128xf32>
    %reduce_sum3A_87 = arith.constant dense<0.000000e+00> : vector<128xf32>
    %reduce_sum3A_88 = vector.multi_reduction <add>, %mul3A_86, %reduce_sum3A_87 [1] : vector<128x128xf32> to vector<128xf32>
    %broadcast_in_dim3A_89 = vector.shape_cast %reduce_sum3A_88 : vector<128xf32> to vector<128x1xf32>
    %mul3A_90 = arith.mulf %while3A_82, %get3A_37 : vector<128x128xf32>
    %reduce_sum3A_91 = arith.constant dense<0.000000e+00> : vector<128xf32>
    %reduce_sum3A_92 = vector.multi_reduction <add>, %mul3A_90, %reduce_sum3A_91 [1] : vector<128x128xf32> to vector<128xf32>
    %broadcast_in_dim3A_93 = vector.shape_cast %reduce_sum3A_92 : vector<128xf32> to vector<128x1xf32>
    %mul3A_94 = arith.mulf %broadcast_in_dim3A_85, %broadcast_in_dim3A_89 : vector<128x1xf32>
    %rsqrt3A = math.rsqrt %mul3A_94 : vector<128x1xf32>
    %mul3A_95 = arith.mulf %broadcast_in_dim3A_93, %rsqrt3A : vector<128x1xf32>
    %swap3A_96 = arith.constant 0 : index
    %swap3A_97 = arith.constant 0 : index
    %swap3A_98 = vector.load %arg6[%swap3A_96, %swap3A_97] : memref<128x1xf32, #tpu.memory_space<vmem>>, vector<128x1xf32>
    tpu.vector_store %arg6[%swap3A_96, %swap3A_97], %mul3A_95 {strides = array<i32>} : memref<128x1xf32, #tpu.memory_space<vmem>>, vector<128x1xf32>,
    return
  }
  func.func @transform_0(%arg0: i32, %arg1: memref<8192xi32, #tpu.memory_space<smem>>) -> (i32, i32) {
    %c0_i32 = arith.constant 0 : i32
    %c0_i32_0 = arith.constant 0 : i32
    return %arg0, %c0_i32 : i32, i32
  }
  func.func @transform_1(%arg0: i32, %arg1: memref<8192xi32, #tpu.memory_space<smem>>) -> (i32, i32) {
    %add3A = arith.constant 64 : i32
    %add3A_0 = arith.addi %arg0, %add3A : i32
    %c0_i32 = arith.constant 0 : i32
    %c0_i32_1 = arith.constant 0 : i32
    return %add3A_0, %c0_i32 : i32, i32
  }
  func.func @transform_2(%arg0: i32, %arg1: memref<8192xi32, #tpu.memory_space<smem>>) -> (i32, i32) {
    %c0_i32 = arith.constant 0 : i32
    %c0_i32_0 = arith.constant 0 : i32
    return %arg0, %c0_i32 : i32, i32
  }
  func.func @transform_4(%arg0: i32, %arg1: memref<8192xi32, #tpu.memory_space<smem>>) -> (i32, i32) {
    %c0_i32 = arith.constant 0 : i32
    %c0_i32_0 = arith.constant 0 : i32
    return %arg0, %c0_i32 : i32, i32
  }
}

</mosaic_0001>

<sc_bundles>
// kernel: gather_offload_async_start.1
scs
__scs_entry_jumppad:
0x0: {  	(pc) =	sbr.rel $0x88, $3  }
0x1: {  	(tag) =	ssettag $0x0;
	lr =	simm.s32 $0x1  }
0x2: {  	[smem:$0x3F9D] =	sst lr;
	_ =	strace $0xD0000000  }
0x3: {  	_ = 	snop  }
0x4: {  	_ = 	snop  }
0x5: {  	_ = 	snop  }
0x6: {  	_ = 	snop  }
0x7: {  	_ = 	snop  }
__scs_overlays_trampoline_lowered:
0x8: {  	[smem:$0x3FAC] =	sst s0  }
0x9: {  	[smem:$0x3FAD] =	sst s1  }
0xa: {  	[smem:$0x3FAE] =	sst s2  }
0xb: {  	[smem:$0x3FAF] =	sst s3  }
0xc: {  	[smem:$0x3FB0] =	sst s4  }
0xd: {  	[smem:$0x3FB1] =	sst s5  }
0xe: {  	[smem:$0x3FB2] =	sst s6  }
0xf: {  	[smem:$0x3FB3] =	sst s7  }
0x10: {  	[smem:$0x3FB4] =	sst s8  }
0x11: {  	[smem:$0x3FB5] =	sst s9;
	s0 =	simm.s32 @!p0 $0x0  }
0x12: {  	s1 =	sld [smem:$0x3F9B];
	s0 =	simm.s32 @p0 $0x1  }
0x13: {  	[smem:$0x3FB6] =	sst s0;
	s0 =	simm.s32 @!p1 $0x0  }
0x14: {  	s2 =	sld [smem:$0x3F9A];
	s0 =	simm.s32 @p1 $0x1  }
0x15: {  	[smem:$0x3FB7] =	sst s0;
	s0 =	simm.s32 @!p2 $0x0  }
0x16: {  	s3 =	sld [smem:$0x3FDB];
	s0 =	simm.s32 @p2 $0x1  }
0x17: {  	s4 =	simm.s32 $0x1BF5;
	[smem:$0x3FB9] =	sst s0  }
0x18: {  	s0 =	sld [smem:$0x3F9C];
	_ =	swait.ge [sflag:s4], $0x0  }
0x19: {  	s7 =	sld [smem:$0x3F9D]  }
0x1a: {  	s8 =	sadd.s32 $0xFFFFE003, lr  }
0x1b: {  	s9 =	sadd.s32 $0xFFFFFEF7, lr;
	s5 =	simm.s32 $0xFFFFFFFF;
	p2 =	slt.u32 s8, $0xFFFFF086  }
0x1c: {  	p1 =	slt.u32 s9, $0xF7A;
	s5 =	simm.s32 @!p2 $0x0  }
0x1d: {  	s5 =	simm.s32 @p1 $0x1;
	p0 =	seq.s32 s7, s2  }
0x1e: {  	s7 =	smul.u32 @!p0 $0xF7A, s2;
	p2 =	seq.s32 @!p0 s5, $0x0  }
0x1f: {  	s9 =	smul.u32 $0xF7A, s1;
	s8 =	simm.s32 @!p0 $0x1BF5;
	p2 =	por !p2, p0  }
0x20: {  	[sflag:s8] =	ssyncset.s32 @!p0 $0xFFFFF086;
	s6 =	sadd.s32 @!p0 s3, s7;
	s7 =	simm.s32 @!p0 $0x108  }
0x21: {  	s3 =	sadd.s32 s3, s9;
	s6 =	sadd.s32 @!p0 $0x88, s6;
	s7 =	simm.s32 @p2 $0x1082  }
0x22: {  	[simem:s7], [sflag:s8] =	dma.local @!p0 [hbm:s6], $0xF7A  }
0x23: {  	s9 =	sor.u32 $0xD0000000, s2;
	s6 =	simm.s32 $0x108;
	_ =	swait.ge @!p0 [sflag:s8], $0x0  }
0x24: {  	s3 =	sadd.s32 $0x88, s3;
	s6 =	simm.s32 @!p1 $0x1082;
	[sflag:s4] =	ssyncset.s32 $0xFFFFF086  }
0x25: {  	[simem:s6], [sflag:s4] =	dma.local [hbm:s3], $0xF7A  }
0x26: {  	[smem:$0x3F9D] =	sst s1;
	(tag) =	ssettag s2;
	_ =	strace s9  }
0x27: {  	s1 =	sld [smem:$0x3FAD]  }
0x28: {  	s2 =	sld [smem:$0x3FAE]  }
0x29: {  	s4 =	sld [smem:$0x3FB0]  }
0x2a: {  	p0 =	seq.s32 s5, $0x0;
	s5 =	sld [smem:$0x3FB1]  }
0x2b: {  	s6 =	sld [smem:$0x3FB2]  }
0x2c: {  	s7 =	sld [smem:$0x3FB3]  }
0x2d: {  	s3 =	simm.s32 $0x108;
	s8 =	sld [smem:$0x3FB4]  }
0x2e: {  	s3 =	simm.s32 @!p0 $0x1082;
	s9 =	sld [smem:$0x3FB5]  }
0x2f: {  	lr =	sadd.s32 s0, s3;
	s0 =	sld [smem:$0x3FAC]  }
0x30: {  	s3 =	sld [smem:$0x3FAF]  }
0x31: {  	[smem:$0x3FB8] =	sst s10  }
0x32: {  	s10 =	sld [smem:$0x3FB6];
	_ =	sdelay $0x3  }
0x33: {  	p0 =	seq.s32 s10, $0x1;
	s10 =	sld [smem:$0x3FB8];
	_ =	sdelay $0x3  }
0x34: {  	[smem:$0x3FB8] =	sst s10  }
0x35: {  	s10 =	sld [smem:$0x3FB7];
	_ =	sdelay $0x3  }
0x36: {  	p1 =	seq.s32 s10, $0x1;
	s10 =	sld [smem:$0x3FB8];
	_ =	sdelay $0x3  }
0x37: {  	[smem:$0x3FB8] =	sst s10  }
0x38: {  	s10 =	sld [smem:$0x3FB9]  }
0x39: {  	_ = 	snop;
	(pc) =	sbr.ind lr, $3  }
0x3a: {  	_ = 	snop  }
0x3b: {  	_ = 	snop  }
0x3c: {  	p2 =	seq.s32 s10, $0x1;
	s10 =	sld [smem:$0x3FB8]  }
0x3d: {  	_ =	shalt  }
0x3e: {  	_ =	shalt  }
0x3f: {  	_ =	shalt  }
0x40: {  	_ =	shalt  }
0x41: {  	_ =	shalt  }
0x42: {  	_ =	shalt  }
0x43: {  	_ =	shalt  }
0x44: {  	_ =	shalt  }
0x45: {  	_ =	shalt  }
0x46: {  	_ =	shalt  }
0x47: {  	_ =	shalt  }
0x48: {  	_ =	shalt  }
0x49: {  	_ =	shalt  }
0x4a: {  	_ =	shalt  }
0x4b: {  	_ =	shalt  }
0x4c: {  	_ =	shalt  }
0x4d: {  	_ =	shalt  }
0x4e: {  	_ =	shalt  }
0x4f: {  	_ =	shalt  }
0x50: {  	_ =	shalt  }
0x51: {  	_ =	shalt  }
0x52: {  	_ =	shalt  }
0x53: {  	_ =	shalt  }
0x54: {  	_ =	shalt  }
0x55: {  	_ =	shalt  }
0x56: {  	_ =	shalt  }
0x57: {  	_ =	shalt  }
0x58: {  	_ =	shalt  }
0x59: {  	_ =	shalt  }
0x5a: {  	_ =	shalt  }
0x5b: {  	_ =	shalt  }
0x5c: {  	_ =	shalt  }
0x5d: {  	_ =	shalt  }
0x5e: {  	_ =	shalt  }
0x5f: {  	_ =	shalt  }
0x60: {  	_ =	shalt  }
0x61: {  	_ =	shalt  }
0x62: {  	_ =	shalt  }
0x63: {  	_ =	shalt  }
0x64: {  	_ =	shalt  }
0x65: {  	_ =	shalt  }
0x66: {  	_ =	shalt  }
0x67: {  	_ =	shalt  }
0x68: {  	_ =	shalt  }
0x69: {  	_ =	shalt  }
0x6a: {  	_ =	shalt  }
0x6b: {  	_ =	shalt  }
0x6c: {  	_ =	shalt  }
0x6d: {  	_ =	shalt  }
0x6e: {  	_ =	shalt  }
0x6f: {  	_ =	shalt  }
0x70: {  	_ =	shalt  }
0x71: {  	_ =	shalt  }
0x72: {  	_ =	shalt  }
0x73: {  	_ =	shalt  }
0x74: {  	_ =	shalt  }
0x75: {  	_ =	shalt  }
0x76: {  	_ =	shalt  }
0x77: {  	_ =	shalt  }
0x78: {  	_ =	shalt  }
0x79: {  	_ =	shalt  }
0x7a: {  	_ =	shalt  }
0x7b: {  	_ =	shalt  }
0x7c: {  	_ =	shalt  }
0x7d: {  	_ =	shalt  }
0x7e: {  	_ =	shalt  }
0x7f: {  	_ =	shalt  }
0x80: {  	_ =	shalt  }
0x81: {  	_ =	shalt  }
0x82: {  	_ =	shalt  }
0x83: {  	_ =	shalt  }
0x84: {  	_ =	shalt  }
0x85: {  	_ =	shalt  }
0x86: {  	_ =	shalt  }
0x87: {  	_ =	shalt  }
.Lfunc_end0:
.L_simem_size_0:
called_computation.1_lowered:
.L_overlay_start_0:
0x88: {  	s2 =	sld [smem:$0x3FD9]  }
0x89: {  	s3 =	sld [smem:$0x3FFE];
	_ =	sdelay $0x1  }
0x8a: {  	s1 =	srdreg.scid  }
0x8b: {  	s0 =	sand.u32 $0x1, s1  }
0x8c: {  	s17 =	sshll.u32 s0, $0xA;
	s2 =	sadd.s32 s3, s2  }
0x8d: {  	s2 =	sadd.s32 s2, s17  }
0x8e: {  	[smem:$0x3FC4] =	sst s2  }
0x8f: {  	_ = 	snop  }
0x90: {  	s18 =	sld [smem:$0x3FD0];
	(tm) =	ssettm $0x1  }
0x91: {  	s19 =	sld [smem:$0x3FFB];
	_ =	sdelay $0x3  }
0x92: {  	_ =	strace s19  }
0x93: {  	s2 =	sld [smem:$0x3FFC];
	_ =	sdelay $0x3  }
0x94: {  	_ =	strace s2  }
0x95: {  	s2 =	sld [smem:$0x3FFD];
	_ =	sdelay $0x3  }
0x96: {  	_ =	strace s2  }
0x97: {  	_ =	strace $0x8FFFFFFF  }
0x98: {  	s20 =	sld [smem:$0x3FDB];
	_ =	sdelay $0x1  }
0x99: {  	s4 =	simm.s32 $_scs_section_size  }
0x9a: {  	s5 =	simm.s32 $_size__tile_overlayer_lowered;
	s6 =	simm.s32 $_tile_overlayer_lowered  }
0x9b: {  	s7 =	simm.s32 $0x1BFF;
	s21 =	sshll.u32 s6, $0x1;
	s4 =	sadd.s32 s4, s20  }
0x9c: {  	s22 =	simm.s32 $0x0;
	s5 =	sshll.u32 s5, $0x1;
	s6 =	sadd.s32 s21, s4  }
0x9d: {  	[timem:s22], [sflag:s7] =	dma.local [hbm:s6], s5  }
0x9e: {  	_ =	swait.ge [sflag:s7], s5  }
0x9f: {  	s5 =	ssub.s32 $0x0, s5;
	[sflag:s7] =	ssyncset.done $0x0  }
0xa0: {  	[sflag:s7] =	ssyncadd.s32 s5;
	_ =	sdelay $0x1  }
0xa1: {  	s23 =	simm.s32 $0x1B8B  }
0xa2: {  	_ =	swait.ge [sflag:s23], $0x1  }
0xa3: {  	[sflag:s23] =	ssyncset.done $0x0  }
0xa4: {  	[sflag:s23] =	ssyncadd.s32 $0xFFFFFFFF  }
0xa5: {  	s5 =	sld [smem:$0x0]  }
0xa6: {  	s6 =	sand.u32 $0xFFFFFFFE, s1  }
0xa7: {  	p0 =	sne.s32 s1, s6  }
0xa8: {  	s6 =	sshll.u32 @p0 s6, $0xE  }
0xa9: {  	s6 =	sadd.s32 @p0 $0x11B8D, s6;
	s7 =	sshll.u32 @p0 s5, $0x11  }
0xaa: {  	s6 =	sor.u32 @p0 s7, s6  }
0xab: {  	[sflag:s6] =	ssyncadd.remote.s32 @p0 $0x1;
	_ =	sdelay $0x1  }
0xac: {  	s6 =	simm.s32 @p0 $0x1B8D  }
0xad: {  	_ =	swait.eq @p0 [sflag:s6], $0x1  }
0xae: {  	[sflag:s6] =	ssyncadd.s32 @p0 $0xFFFFFFFF  }
0xaf: {  	s7 =	sshll.u32 @!p0 s1, $0xE  }
0xb0: {  	s7 =	sor.u32 @!p0 $0x4000, s7;
	s6 =	simm.s32 @!p0 $0x1B8D  }
0xb1: {  	s5 =	sshll.u32 @!p0 s5, $0x11;
	s7 =	sadd.s32 @!p0 $0x11B8D, s7;
	_ =	swait.eq @!p0 [sflag:s6], $0x1  }
0xb2: {  	s5 =	sor.u32 @!p0 s5, s7;
	[sflag:s6] =	ssyncadd.s32 @!p0 $0xFFFFFFFF  }
0xb3: {  	s25 =	simm.s32 $0x1B8E;
	s24 =	sld [smem:$0x3FFE];
	[sflag:s5] =	ssyncadd.remote.s32 @!p0 $0x1  }
0xb4: {  	s26 =	simm.s32 $execute0_lowered;
	[smem:$0x3FD2] =	sst s25  }
0xb5: {  	s6 =	sshll.u32 s26, $0x1;
	_ =	strace $0x80000049;
	[dreg:$0x1] =	wrdreg $0xFFFFFFFF  }
0xb6: {  	s28 =	simm.s32 $_size_execute0_lowered;
	s4 =	sadd.s32 s4, s6;
	[dreg:$0x0] =	wrdreg $0x0  }
0xb7: {  	s6 =	sshll.u32 s28, $0x1;
	[dreg:$0x2] =	wrdreg s4  }
0xb8: {  	[dreg:$0x3] =	wrdreg s6  }
0xb9: {  	[dreg:$0x4] =	wrdreg $0xC0  }
0xba: {  	_ =	task [dreg:s22], $0x5FFFF  }
0xbb: {  	[dreg:$0x1] =	wrdreg $0xFFFFFFFF  }
0xbc: {  	[dreg:$0x0] =	wrdreg $0x60  }
0xbd: {  	[dreg:$0x2] =	wrdreg s24  }
0xbe: {  	[dreg:$0x3] =	wrdreg s18  }
0xbf: {  	[dreg:$0x4] =	wrdreg $0x9  }
0xc0: {  	_ =	task.clear_ibuf [dreg:s22], $0x5FFFF;
	_ =	strace $0x90000049  }
0xc1: {  	s29 =	simm.s32 $0x9;
	_ =	strace $0x8000004B  }
0xc2: {  	_ =	swait.ge [sflag:s29], $0x1  }
0xc3: {  	[sflag:s29] =	ssyncadd.s32 $0xFFFFFFFF  }
0xc4: {  	_ =	strace $0x9000004B  }
0xc5: {  	_ =	sfence  }
0xc6: {  	s30 =	sld [smem:$0x0];
	_ =	sdelay $0x2  }
0xc7: {  	s31 =	sshll.u32 s1, $0xD;
	s1 =	sshrl.u32 s1, $0x2  }
0xc8: {  	s4 =	sand.u32 $0x4000, s31;
	s1 =	sadd.s32 s1, s30  }
0xc9: {  	s0 =	sor.u32 s4, s0;
	s1 =	sshll.u32 s1, $0x11  }
0xca: {  	s0 =	sor.u32 s1, s0  }
0xcb: {  	s0 =	sadd.s32 $0x8F2B, s0  }
0xcc: {  	[sflag:s0] =	ssyncadd.remote.s32 $0x1  }
0xcd: {  	_ =	sfence.sel $0xFFFF  }
0xce: {  	[dreg:$0x0] =	wrdreg $0xFFFFFFFF;
	(pc) =	sbr.abs _section_cstart, $3  }
0xcf: {  	[dreg:$0x1] =	wrdreg $0xFFFFFFFF  }
0xd0: {  	_ =	task.clear_ibuf [dreg:s22], $0x2FFFF;
	_ =	strace $0x9FFFFFFF  }
0xd1: {  	(tm) =	ssettm $0x7FFFFFFF  }
tec
execute0_lowered:
.L_overlay_start_1:
0x0: {  	(tag) =	ssettag $0x1  }
0x1: {  	s1 =	srdreg.scid;
	s5 =	rddreg [dreg:$0x0]  }
0x2: {  	s0 =	stileid.u32;
	s2 =	rddreg [dreg:$0x1];
	s6 =	simm.s32 $0x1  }
0x3: {  	s9 =	simm.s32 $0x1;
	s10 =	simm.s32 $0x3;
	s1 =	sshll.u32 s1, $0x7  }
0x4: {  	s13 =	simm.s32 $0x0;
	s3 =	sshll.u32 s0, $0x8;
	s4 =	sand.u32 $0x80, s1  }
0x5: {  	s12 =	simm.s32 $0x0;
	s1 =	rddreg [dreg:$0x2];
	s3 =	sor.u32 s3, s4  }
0x6: {  	_ =	strace $0x8000004A;
	s4 =	sadd.s32 $0x400, s5;
	s8 =	ssub.s32 $0x2000, s3  }
.Ltmp0:
0x7: {  	s5 =	sadd.s32 $0xC00, s5;
	s7 =	sand.u32 $0xF80, s8;
	(pc) =	sbr.rel .LBB2_1-.Ltmp0, $4  }
0x8: {  	[sflag:s6] =	ssyncpa.u1 $0x0;
	s11 =	smov.u32 s3;
	p0 =	sne.s32 s7, $0x0  }
0x9: {  	s8 =	sshrl.u32 s8, $0xC;
	s7 =	simm.s32 $0x2;
	s9 =	simm.s32 @!p0 $0x0  }
0xa: {  	[sflag:s7] =	ssyncpa.u1 $0x0;
	p0 =	por $0x0, $0x0;
	s8 =	sadd.s32 s9, s8  }
0xb: {  	vm0 =	vmmov $0xffff;
	[sflag:s10] =	ssyncpa.u1 $0x0;
	s10 =	simm.s32 $0x0;
	s9 =	sadd.s32 $0x1, s8  }
.LBB2_4:
0xc: {  	v2 =	vnsel vm1, $0x0, v2  }
0xd: {  	vm1 =	vgt.s32 v0, $0x0;
	v2 =	vmin.u32 v2, $0x1FFF  }
0xe: {  	v0 =	vnsel vm1, $0x0, v0  }
0xf: {  	v0 =	vmin.u32 v0, $0x1FFF  }
0x10: {  	[tilespmem:s15], [sflag:$0x1] =	stream.indirect_vreg.gather [hbm4b:s4+s10], $0x1, v1, vm0, $0x4038;
	[tilespmem:$0x200] =	vst v63  }
0x11: {  	(ifvalue) =	ssetifvalue $0x7FFFFFFF  }
0x12: {  	[tilespmem:s16], [sflag:$0x1] =	stream.indirect_vreg.gather [hbm4b:s4+s10], $0x1, v2, vm0, $0x4038;
	[tilespmem:$0x200] =	vst v63  }
0x13: {  	s29 =	sadd.s32 $0x10, s16;
	(ifvalue) =	ssetifvalue $0x7FFFFFFF  }
0x14: {  	[tilespmem:s29], [sflag:$0x1] =	stream.indirect_vreg.gather [hbm4b:s4+s10], $0x1, v0, vm0, $0x4038;
	[tilespmem:$0x200] =	vst v63  }
0x15: {  	_ =	swait.ge [sflag:s6], $0x80  }
0x16: {  	s30 =	sshrl.u32 s13, $0x3;
	[sflag:s6] =	ssyncset.done $0x0  }
0x17: {  	s31 =	sand.u32 $0x7, s13;
	s15 =	sadd.s32 s5, s30;
	[sflag:s6] =	ssyncadd.s32 $0xFFFFFF80  }
0x18: {  	[hbm4b:s15+s31] =	stream.linear.scatter [tilespmem:s14], [sflag:$0x3], $0x80, $0x38;
	[tilespmem:$0x200] =	vst v63  }
.LBB2_5:
0x19: {  	s15 =	sadd.s32 $0x1000, s11  }
0x1a: {  	p2 =	sgt.s32 s15, $0x1FFF  }
0x1b: {  	s15 =	smov.u32 @p2 s3;
	p2 =	sne.s32 s12, s9  }
.Ltmp1:
0x1c: {  	p1 =	slt.u32 s12, $0x2;
	(pc) =	sbr.rel @!p2 .LBB2_6-.Ltmp1, $4  }
0x1d: {  	s14 =	simm.s32 @!p1 $0x3  }
0x1e: {  	s16 =	sadd.s32 $0x1, s12;
	_ =	swait.ge @!p1 [sflag:s14], $0x80  }
0x1f: {  	s13 =	smov.u32 s11;
	p0 =	por !p0, !p0;
	[sflag:s14] =	ssyncset.done @!p1 $0x0  }
0x20: {  	s12 =	smov.u32 s16;
	s11 =	smov.u32 s15;
	[sflag:s14] =	ssyncadd.s32 @!p1 $0xFFFFFF80  }
.LBB2_1:
0x21: {  	p1 =	sge.u32 s12, s8  }
0x22: {  	s14 =	sxor.u32 @!p1 $0xFFFFFFFF, s12  }
0x23: {  	s31 =	sadd.s32 $0xFFFFFFFF, s12;
	s15 =	sshrl.u32 @!p1 s11, $0x3;
	s14 =	sshll.u32 @!p1 s14, $0x7  }
0x24: {  	s16 =	sand.u32 @!p1 $0x7, s11;
	s15 =	sadd.s32 @!p1 s2, s15;
	s14 =	sand.u32 @!p1 $0x80, s14  }
0x25: {  	[tilespmem:s14], [sflag:$0x2] =	stream.linear.gather @!p1 [hbm4b:s15+s16], $0x80, $0x38;
	[tilespmem:$0x200] =	vst v63  }
0x26: {  	p1 =	sge.u32 s31, s8  }
.Ltmp2:
0x27: {  	_ = 	snop;
	(pc) =	sbr.rel @p1 .LBB2_5-.Ltmp2, $1  }
0x28: {  	_ =	sdelay $0x3  }
0x29: {  	s14 =	simm.s32 $0x1  }
0x2a: {  	_ =	swait.ge [sflag:s7], $0x80;
	s14 =	simm.s32 @!p0 $0x0  }
0x2b: {  	[sflag:s7] =	ssyncset.done $0x0;
	s14 =	sshll.u32 s14, $0x7  }
0x2c: {  	[sflag:s7] =	ssyncadd.s32 $0xFFFFFF80;
	(ifvalue) =	ssetifvalue $0x7FFFFFFF;
	v0 =	vld.msk [tilespmem:s14+$0x0 ss:$0x1], $0xffff;
	_ =	sdelay $0x4  }
0x2d: {  	s15 =	sadd.s32 $0x10, s14;
	vm1 =	vgt.s32 v0, $0x0  }
0x2e: {  	v2 =	vld.msk [tilespmem:s15+$0x0 ss:$0x1], $0xffff;
	v1 =	vnsel vm1, $0x0, v0  }
0x2f: {  	v1 =	vmin.u32 v1, $0x1FFF;
	_ =	sdelay $0x1  }
0x30: {  	s16 =	sshll.u32 s12, $0x7;
	s18 =	simm.s32 $0x20  }
0x31: {  	s16 =	sand.u32 $0x80, s16;
	s17 =	sadd.s32 $0x10, s15;
	s15 =	sor.u32 $0x100, s14  }
0x32: {  	s14 =	sor.u32 $0x100, s16;
	s16 =	sadd.s32 $0x10, s15;
	v0 =	vld.msk [tilespmem:s17+$0x0 ss:$0x1], $0xffff;
	vm1 =	vgt.s32 v2, $0x0;
	(ifvalue) =	ssetifvalue $0x7FFFFFFF  }
.LBB2_3:
0x33: {  	[tilespmem:s15], [sflag:$0x1] =	stream.indirect_vreg.gather [hbm4b:s4+s10], $0x1, v1, vm0, $0x4038;
	[tilespmem:$0x200] =	vst v63  }
0x34: {  	s18 =	sadd.s32 $0x10, s18  }
0x35: {  	v2 =	vnsel vm1, $0x0, v2;
	p1 =	slt.u32 s18, $0x70  }
.Ltmp3:
0x36: {  	s15 =	smov.u32 s16;
	v1 =	vmin.u32 v2, $0x1FFF;
	(pc) =	sbr.rel @p1 .LBB2_3-.Ltmp3, $3  }
0x37: {  	_ =	sdelay $0x1  }
0x38: {  	s17 =	sadd.s32 $0x10, s17  }
0x39: {  	vm1 =	vgt.s32 v0, $0x0;
	s16 =	sadd.s32 $0x10, s16;
	v2 =	vmov v0;
	(ifvalue) =	ssetifvalue $0x7FFFFFFF;
	v0 =	vld.msk [tilespmem:s17+$0x0 ss:$0x1], $0xffff  }
.Ltmp4:
0x3a: {  	_ = 	snop;
	(pc) =	sbr.rel .LBB2_4-.Ltmp4, $1  }
0x3b: {  	_ =	sdelay $0x3  }
.LBB2_6:
0x3c: {  	_ =	sfence.sel $0x180000  }
0x3d: {  	s2 =	simm.s32 $0x2;
	[bflag:$0x0] =	sbarrier.arrive $0xFFFF  }
0x3e: {  	s30 =	simm.s32 $0x3;
	[sflag:s2] =	ssyncpa.u1 $0x1  }
0x3f: {  	s31 =	simm.s32 $0x1;
	[sflag:s30] =	ssyncpa.u1 $0x1  }
0x40: {  	[sflag:s31] =	ssyncpa.u1 $0x1  }
0x41: {  	p0 =	sne.s32 s0, $0x0;
	_ =	strace $0x9000004A  }
0x42: {  	s0 =	sadd.s32 @!p0 $0x100000, s1;
	[bflag:$0x2] =	sbarrier.arrive $0xFFFF  }
0x43: {  	[sflag:s0] =	ssyncadd.tile.s32 @!p0 $0x1;
	_ =	shalt  }
.Lfunc_end2:
_tile_overlayer_lowered:
.L_overlay_start_2:
0x44: {  	(tag) =	ssettag $0x2  }
0x45: {  	s0 =	rddreg [dreg:$0x0];
	s2 =	stileid.u32  }
0x46: {  	s1 =	rddreg [dreg:$0x1];
	p0 =	sne.s32 s2, $0x0  }
0x47: {  	s3 =	rddreg [dreg:$0x2];
	[bflag:$0x3] =	sbarrier.arrive $0xFFFF;
	s2 =	simm.s32 @!p0 $0x1C01  }
0x48: {  	[timem:s3], [sflag:s2] =	dma.local @!p0 [hbm:s0], s1  }
0x49: {  	s0 =	simm.s32 @!p0 $0x1  }
0x4a: {  	_ =	swait.ge @!p0 [sflag:s0], s1  }
0x4b: {  	s1 =	ssub.s32 @!p0 $0x0, s1;
	[sflag:s0] =	ssyncset.done @!p0 $0x0  }
0x4c: {  	[sflag:s0] =	ssyncadd.s32 @!p0 s1  }
0x4d: {  	[bflag:$0x3] =	sbarrier.arrive $0xFFFF  }
0x4e: {  	_ =	shalt  }

// kernel: gather_offload_async_start.2
scs
__scs_entry_jumppad:
0x0: {  	(pc) =	sbr.rel $0x88, $3  }
0x1: {  	(tag) =	ssettag $0x0;
	lr =	simm.s32 $0x1  }
0x2: {  	[smem:$0x3F9D] =	sst lr;
	_ =	strace $0xD0000000  }
0x3: {  	_ = 	snop  }
0x4: {  	_ = 	snop  }
0x5: {  	_ = 	snop  }
0x6: {  	_ = 	snop  }
0x7: {  	_ = 	snop  }
__scs_overlays_trampoline_lowered:
0x8: {  	[smem:$0x3FAC] =	sst s0  }
0x9: {  	[smem:$0x3FAD] =	sst s1  }
0xa: {  	[smem:$0x3FAE] =	sst s2  }
0xb: {  	[smem:$0x3FAF] =	sst s3  }
0xc: {  	[smem:$0x3FB0] =	sst s4  }
0xd: {  	[smem:$0x3FB1] =	sst s5  }
0xe: {  	[smem:$0x3FB2] =	sst s6  }
0xf: {  	[smem:$0x3FB3] =	sst s7  }
0x10: {  	[smem:$0x3FB4] =	sst s8  }
0x11: {  	[smem:$0x3FB5] =	sst s9;
	s0 =	simm.s32 @!p0 $0x0  }
0x12: {  	s1 =	sld [smem:$0x3F9B];
	s0 =	simm.s32 @p0 $0x1  }
0x13: {  	[smem:$0x3FB6] =	sst s0;
	s0 =	simm.s32 @!p1 $0x0  }
0x14: {  	s2 =	sld [smem:$0x3F9A];
	s0 =	simm.s32 @p1 $0x1  }
0x15: {  	[smem:$0x3FB7] =	sst s0;
	s0 =	simm.s32 @!p2 $0x0  }
0x16: {  	s3 =	sld [smem:$0x3FDB];
	s0 =	simm.s32 @p2 $0x1  }
0x17: {  	s4 =	simm.s32 $0x1BF5;
	[smem:$0x3FB9] =	sst s0  }
0x18: {  	s0 =	sld [smem:$0x3F9C];
	_ =	swait.ge [sflag:s4], $0x0  }
0x19: {  	s7 =	sld [smem:$0x3F9D]  }
0x1a: {  	s8 =	sadd.s32 $0xFFFFE003, lr  }
0x1b: {  	s9 =	sadd.s32 $0xFFFFFEF7, lr;
	s5 =	simm.s32 $0xFFFFFFFF;
	p2 =	slt.u32 s8, $0xFFFFF086  }
0x1c: {  	p1 =	slt.u32 s9, $0xF7A;
	s5 =	simm.s32 @!p2 $0x0  }
0x1d: {  	s5 =	simm.s32 @p1 $0x1;
	p0 =	seq.s32 s7, s2  }
0x1e: {  	s7 =	smul.u32 @!p0 $0xF7A, s2;
	p2 =	seq.s32 @!p0 s5, $0x0  }
0x1f: {  	s9 =	smul.u32 $0xF7A, s1;
	s8 =	simm.s32 @!p0 $0x1BF5;
	p2 =	por !p2, p0  }
0x20: {  	[sflag:s8] =	ssyncset.s32 @!p0 $0xFFFFF086;
	s6 =	sadd.s32 @!p0 s3, s7;
	s7 =	simm.s32 @!p0 $0x108  }
0x21: {  	s3 =	sadd.s32 s3, s9;
	s6 =	sadd.s32 @!p0 $0x88, s6;
	s7 =	simm.s32 @p2 $0x1082  }
0x22: {  	[simem:s7], [sflag:s8] =	dma.local @!p0 [hbm:s6], $0xF7A  }
0x23: {  	s9 =	sor.u32 $0xD0000000, s2;
	s6 =	simm.s32 $0x108;
	_ =	swait.ge @!p0 [sflag:s8], $0x0  }
0x24: {  	s3 =	sadd.s32 $0x88, s3;
	s6 =	simm.s32 @!p1 $0x1082;
	[sflag:s4] =	ssyncset.s32 $0xFFFFF086  }
0x25: {  	[simem:s6], [sflag:s4] =	dma.local [hbm:s3], $0xF7A  }
0x26: {  	[smem:$0x3F9D] =	sst s1;
	(tag) =	ssettag s2;
	_ =	strace s9  }
0x27: {  	s1 =	sld [smem:$0x3FAD]  }
0x28: {  	s2 =	sld [smem:$0x3FAE]  }
0x29: {  	s4 =	sld [smem:$0x3FB0]  }
0x2a: {  	p0 =	seq.s32 s5, $0x0;
	s5 =	sld [smem:$0x3FB1]  }
0x2b: {  	s6 =	sld [smem:$0x3FB2]  }
0x2c: {  	s7 =	sld [smem:$0x3FB3]  }
0x2d: {  	s3 =	simm.s32 $0x108;
	s8 =	sld [smem:$0x3FB4]  }
0x2e: {  	s3 =	simm.s32 @!p0 $0x1082;
	s9 =	sld [smem:$0x3FB5]  }
0x2f: {  	lr =	sadd.s32 s0, s3;
	s0 =	sld [smem:$0x3FAC]  }
0x30: {  	s3 =	sld [smem:$0x3FAF]  }
0x31: {  	[smem:$0x3FB8] =	sst s10  }
0x32: {  	s10 =	sld [smem:$0x3FB6];
	_ =	sdelay $0x3  }
0x33: {  	p0 =	seq.s32 s10, $0x1;
	s10 =	sld [smem:$0x3FB8];
	_ =	sdelay $0x3  }
0x34: {  	[smem:$0x3FB8] =	sst s10  }
0x35: {  	s10 =	sld [smem:$0x3FB7];
	_ =	sdelay $0x3  }
0x36: {  	p1 =	seq.s32 s10, $0x1;
	s10 =	sld [smem:$0x3FB8];
	_ =	sdelay $0x3  }
0x37: {  	[smem:$0x3FB8] =	sst s10  }
0x38: {  	s10 =	sld [smem:$0x3FB9]  }
0x39: {  	_ = 	snop;
	(pc) =	sbr.ind lr, $3  }
0x3a: {  	_ = 	snop  }
0x3b: {  	_ = 	snop  }
0x3c: {  	p2 =	seq.s32 s10, $0x1;
	s10 =	sld [smem:$0x3FB8]  }
0x3d: {  	_ =	shalt  }
0x3e: {  	_ =	shalt  }
0x3f: {  	_ =	shalt  }
0x40: {  	_ =	shalt  }
0x41: {  	_ =	shalt  }
0x42: {  	_ =	shalt  }
0x43: {  	_ =	shalt  }
0x44: {  	_ =	shalt  }
0x45: {  	_ =	shalt  }
0x46: {  	_ =	shalt  }
0x47: {  	_ =	shalt  }
0x48: {  	_ =	shalt  }
0x49: {  	_ =	shalt  }
0x4a: {  	_ =	shalt  }
0x4b: {  	_ =	shalt  }
0x4c: {  	_ =	shalt  }
0x4d: {  	_ =	shalt  }
0x4e: {  	_ =	shalt  }
0x4f: {  	_ =	shalt  }
0x50: {  	_ =	shalt  }
0x51: {  	_ =	shalt  }
0x52: {  	_ =	shalt  }
0x53: {  	_ =	shalt  }
0x54: {  	_ =	shalt  }
0x55: {  	_ =	shalt  }
0x56: {  	_ =	shalt  }
0x57: {  	_ =	shalt  }
0x58: {  	_ =	shalt  }
0x59: {  	_ =	shalt  }
0x5a: {  	_ =	shalt  }
0x5b: {  	_ =	shalt  }
0x5c: {  	_ =	shalt  }
0x5d: {  	_ =	shalt  }
0x5e: {  	_ =	shalt  }
0x5f: {  	_ =	shalt  }
0x60: {  	_ =	shalt  }
0x61: {  	_ =	shalt  }
0x62: {  	_ =	shalt  }
0x63: {  	_ =	shalt  }
0x64: {  	_ =	shalt  }
0x65: {  	_ =	shalt  }
0x66: {  	_ =	shalt  }
0x67: {  	_ =	shalt  }
0x68: {  	_ =	shalt  }
0x69: {  	_ =	shalt  }
0x6a: {  	_ =	shalt  }
0x6b: {  	_ =	shalt  }
0x6c: {  	_ =	shalt  }
0x6d: {  	_ =	shalt  }
0x6e: {  	_ =	shalt  }
0x6f: {  	_ =	shalt  }
0x70: {  	_ =	shalt  }
0x71: {  	_ =	shalt  }
0x72: {  	_ =	shalt  }
0x73: {  	_ =	shalt  }
0x74: {  	_ =	shalt  }
0x75: {  	_ =	shalt  }
0x76: {  	_ =	shalt  }
0x77: {  	_ =	shalt  }
0x78: {  	_ =	shalt  }
0x79: {  	_ =	shalt  }
0x7a: {  	_ =	shalt  }
0x7b: {  	_ =	shalt  }
0x7c: {  	_ =	shalt  }
0x7d: {  	_ =	shalt  }
0x7e: {  	_ =	shalt  }
0x7f: {  	_ =	shalt  }
0x80: {  	_ =	shalt  }
0x81: {  	_ =	shalt  }
0x82: {  	_ =	shalt  }
0x83: {  	_ =	shalt  }
0x84: {  	_ =	shalt  }
0x85: {  	_ =	shalt  }
0x86: {  	_ =	shalt  }
0x87: {  	_ =	shalt  }
.Lfunc_end0:
.L_simem_size_0:
called_computation.2_lowered:
.L_overlay_start_0:
0x88: {  	s2 =	sld [smem:$0x3FD9]  }
0x89: {  	s3 =	sld [smem:$0x3FFE];
	_ =	sdelay $0x1  }
0x8a: {  	s1 =	srdreg.scid  }
0x8b: {  	s0 =	sand.u32 $0x1, s1  }
0x8c: {  	s17 =	sshll.u32 s0, $0xA;
	s2 =	sadd.s32 s3, s2  }
0x8d: {  	s2 =	sadd.s32 s2, s17  }
0x8e: {  	[smem:$0x3FC4] =	sst s2  }
0x8f: {  	_ = 	snop  }
0x90: {  	s2 =	sld [smem:$0x3FD0];
	(tm) =	ssettm $0x1  }
0x91: {  	s18 =	sld [smem:$0x3FFB];
	_ =	sdelay $0x3  }
0x92: {  	_ =	strace s18  }
0x93: {  	s3 =	sld [smem:$0x3FFC];
	_ =	sdelay $0x3  }
0x94: {  	_ =	strace s3  }
0x95: {  	s3 =	sld [smem:$0x3FFD];
	_ =	sdelay $0x3  }
0x96: {  	_ =	strace s3  }
0x97: {  	_ =	strace $0x8FFFFFFF  }
0x98: {  	s19 =	sld [smem:$0x3FDB];
	_ =	sdelay $0x1  }
0x99: {  	s4 =	simm.s32 $_scs_section_size  }
0x9a: {  	s5 =	simm.s32 $_size__tile_overlayer_lowered;
	s6 =	simm.s32 $_tile_overlayer_lowered  }
0x9b: {  	s22 =	simm.s32 $0x1BFF;
	s21 =	sshll.u32 s6, $0x1;
	s3 =	sadd.s32 s4, s19  }
0x9c: {  	s7 =	simm.s32 $0x0;
	s20 =	sshll.u32 s5, $0x1;
	s5 =	sadd.s32 s21, s3  }
0x9d: {  	[timem:s7], [sflag:s22] =	dma.local [hbm:s5], s20  }
0x9e: {  	_ =	swait.ge [sflag:s22], s20  }
0x9f: {  	s4 =	ssub.s32 $0x0, s20;
	[sflag:s22] =	ssyncset.done $0x0  }
0xa0: {  	[sflag:s22] =	ssyncadd.s32 s4;
	_ =	sdelay $0x1  }
0xa1: {  	s23 =	simm.s32 $0x1B8B  }
0xa2: {  	_ =	swait.ge [sflag:s23], $0x1  }
0xa3: {  	[sflag:s23] =	ssyncset.done $0x0  }
0xa4: {  	s25 =	simm.s32 $0x1B8E;
	s24 =	sld [smem:$0x3FFE];
	[sflag:s23] =	ssyncadd.s32 $0xFFFFFFFF  }
0xa5: {  	s26 =	simm.s32 $execute0_lowered;
	[smem:$0x3FD2] =	sst s25  }
0xa6: {  	s5 =	sshll.u32 s26, $0x1;
	_ =	strace $0x80000046;
	[dreg:$0x1] =	wrdreg $0xFFFFFFFF  }
0xa7: {  	s28 =	simm.s32 $_size_execute0_lowered;
	s3 =	sadd.s32 s3, s5;
	[dreg:$0x0] =	wrdreg $0x0  }
0xa8: {  	s5 =	sshll.u32 s28, $0x1;
	[dreg:$0x2] =	wrdreg s3  }
0xa9: {  	[dreg:$0x3] =	wrdreg s5  }
0xaa: {  	[dreg:$0x4] =	wrdreg $0xC0  }
0xab: {  	_ =	task [dreg:s7], $0x5FFFF  }
0xac: {  	[dreg:$0x1] =	wrdreg $0xFFFFFFFF  }
0xad: {  	[dreg:$0x0] =	wrdreg $0x60  }
0xae: {  	[dreg:$0x2] =	wrdreg s24  }
0xaf: {  	[dreg:$0x3] =	wrdreg s2  }
0xb0: {  	[dreg:$0x4] =	wrdreg $0xA  }
0xb1: {  	_ =	task.clear_ibuf [dreg:s7], $0x5FFFF;
	_ =	strace $0x90000046  }
0xb2: {  	s29 =	simm.s32 $0xA;
	_ =	strace $0x80000048  }
0xb3: {  	_ =	swait.ge [sflag:s29], $0x1  }
0xb4: {  	[sflag:s29] =	ssyncadd.s32 $0xFFFFFFFF  }
0xb5: {  	_ =	strace $0x90000048  }
0xb6: {  	_ =	sfence  }
0xb7: {  	s30 =	sld [smem:$0x0];
	_ =	sdelay $0x2  }
0xb8: {  	s31 =	sshll.u32 s1, $0xD;
	s1 =	sshrl.u32 s1, $0x2  }
0xb9: {  	s3 =	sand.u32 $0x4000, s31;
	s1 =	sadd.s32 s1, s30  }
0xba: {  	s0 =	sor.u32 s3, s0;
	s1 =	sshll.u32 s1, $0x11  }
0xbb: {  	s0 =	sor.u32 s1, s0  }
0xbc: {  	s0 =	sadd.s32 $0x8F2B, s0  }
0xbd: {  	[sflag:s0] =	ssyncadd.remote.s32 $0x1  }
0xbe: {  	_ =	sfence.sel $0xFFFF  }
0xbf: {  	[dreg:$0x0] =	wrdreg $0xFFFFFFFF;
	(pc) =	sbr.abs _section_cstart, $3  }
0xc0: {  	[dreg:$0x1] =	wrdreg $0xFFFFFFFF  }
0xc1: {  	_ =	task.clear_ibuf [dreg:s7], $0x2FFFF;
	_ =	strace $0x9FFFFFFF  }
0xc2: {  	(tm) =	ssettm $0x7FFFFFFF  }
0xc3: {  	_ =	shalt  }
tec
execute0_lowered:
.L_overlay_start_1:
0x0: {  	(tag) =	ssettag $0x1  }
0x1: {  	s1 =	srdreg.scid;
	s2 =	rddreg [dreg:$0x0]  }
0x2: {  	s0 =	stileid.u32;
	s3 =	rddreg [dreg:$0x1]  }
0x3: {  	s6 =	simm.s32 $0x1;
	s9 =	simm.s32 $0x1;
	s1 =	sshll.u32 s1, $0x7  }
0x4: {  	s10 =	simm.s32 $0x3;
	s4 =	sshll.u32 s0, $0x8;
	s5 =	sand.u32 $0x80, s1  }
0x5: {  	s13 =	simm.s32 $0x0;
	s12 =	simm.s32 $0x0;
	s4 =	sor.u32 s4, s5  }
0x6: {  	s1 =	rddreg [dreg:$0x2];
	_ =	strace $0x80000047;
	s8 =	ssub.s32 $0x2000, s4  }
.Ltmp0:
0x7: {  	s5 =	sadd.s32 $0x800, s2;
	s7 =	sand.u32 $0xF80, s8;
	(pc) =	sbr.rel .LBB2_1-.Ltmp0, $4  }
0x8: {  	[sflag:s6] =	ssyncpa.u1 $0x0;
	s11 =	smov.u32 s4;
	p0 =	sne.s32 s7, $0x0  }
0x9: {  	s8 =	sshrl.u32 s8, $0xC;
	s7 =	simm.s32 $0x2;
	s9 =	simm.s32 @!p0 $0x0  }
0xa: {  	[sflag:s7] =	ssyncpa.u1 $0x0;
	p0 =	por $0x0, $0x0;
	s8 =	sadd.s32 s9, s8  }
0xb: {  	vm0 =	vmmov $0xffff;
	[sflag:s10] =	ssyncpa.u1 $0x0;
	s10 =	simm.s32 $0x0;
	s9 =	sadd.s32 $0x1, s8  }
.LBB2_4:
0xc: {  	v2 =	vnsel vm1, $0x0, v2  }
0xd: {  	vm1 =	vgt.s32 v0, $0x0;
	v2 =	vmin.u32 v2, $0x1FFF  }
0xe: {  	v0 =	vnsel vm1, $0x0, v0  }
0xf: {  	v0 =	vmin.u32 v0, $0x1FFF  }
0x10: {  	[tilespmem:s15], [sflag:$0x1] =	stream.indirect_vreg.gather [hbm4b:s2+s10], $0x1, v1, vm0, $0x4038;
	[tilespmem:$0x200] =	vst v63  }
0x11: {  	(ifvalue) =	ssetifvalue $0x7FFFFFFF  }
0x12: {  	[tilespmem:s16], [sflag:$0x1] =	stream.indirect_vreg.gather [hbm4b:s2+s10], $0x1, v2, vm0, $0x4038;
	[tilespmem:$0x200] =	vst v63  }
0x13: {  	s29 =	sadd.s32 $0x10, s16;
	(ifvalue) =	ssetifvalue $0x7FFFFFFF  }
0x14: {  	[tilespmem:s29], [sflag:$0x1] =	stream.indirect_vreg.gather [hbm4b:s2+s10], $0x1, v0, vm0, $0x4038;
	[tilespmem:$0x200] =	vst v63  }
0x15: {  	_ =	swait.ge [sflag:s6], $0x80  }
0x16: {  	s30 =	sshrl.u32 s13, $0x3;
	[sflag:s6] =	ssyncset.done $0x0  }
0x17: {  	s31 =	sand.u32 $0x7, s13;
	s15 =	sadd.s32 s5, s30;
	[sflag:s6] =	ssyncadd.s32 $0xFFFFFF80  }
0x18: {  	[hbm4b:s15+s31] =	stream.linear.scatter [tilespmem:s14], [sflag:$0x3], $0x80, $0x38;
	[tilespmem:$0x200] =	vst v63  }
.LBB2_5:
0x19: {  	s15 =	sadd.s32 $0x1000, s11  }
0x1a: {  	p2 =	sgt.s32 s15, $0x1FFF  }
0x1b: {  	s15 =	smov.u32 @p2 s4;
	p2 =	sne.s32 s12, s9  }
.Ltmp1:
0x1c: {  	p1 =	slt.u32 s12, $0x2;
	(pc) =	sbr.rel @!p2 .LBB2_6-.Ltmp1, $4  }
0x1d: {  	s14 =	simm.s32 @!p1 $0x3  }
0x1e: {  	s16 =	sadd.s32 $0x1, s12;
	_ =	swait.ge @!p1 [sflag:s14], $0x80  }
0x1f: {  	s13 =	smov.u32 s11;
	p0 =	por !p0, !p0;
	[sflag:s14] =	ssyncset.done @!p1 $0x0  }
0x20: {  	s12 =	smov.u32 s16;
	s11 =	smov.u32 s15;
	[sflag:s14] =	ssyncadd.s32 @!p1 $0xFFFFFF80  }
.LBB2_1:
0x21: {  	p1 =	sge.u32 s12, s8  }
0x22: {  	s14 =	sxor.u32 @!p1 $0xFFFFFFFF, s12  }
0x23: {  	s31 =	sadd.s32 $0xFFFFFFFF, s12;
	s15 =	sshrl.u32 @!p1 s11, $0x3;
	s14 =	sshll.u32 @!p1 s14, $0x7  }
0x24: {  	s16 =	sand.u32 @!p1 $0x7, s11;
	s15 =	sadd.s32 @!p1 s3, s15;
	s14 =	sand.u32 @!p1 $0x80, s14  }
0x25: {  	[tilespmem:s14], [sflag:$0x2] =	stream.linear.gather @!p1 [hbm4b:s15+s16], $0x80, $0x38;
	[tilespmem:$0x200] =	vst v63  }
0x26: {  	p1 =	sge.u32 s31, s8  }
.Ltmp2:
0x27: {  	_ = 	snop;
	(pc) =	sbr.rel @p1 .LBB2_5-.Ltmp2, $1  }
0x28: {  	_ =	sdelay $0x3  }
0x29: {  	s14 =	simm.s32 $0x1  }
0x2a: {  	_ =	swait.ge [sflag:s7], $0x80;
	s14 =	simm.s32 @!p0 $0x0  }
0x2b: {  	[sflag:s7] =	ssyncset.done $0x0;
	s14 =	sshll.u32 s14, $0x7  }
0x2c: {  	[sflag:s7] =	ssyncadd.s32 $0xFFFFFF80;
	(ifvalue) =	ssetifvalue $0x7FFFFFFF;
	v0 =	vld.msk [tilespmem:s14+$0x0 ss:$0x1], $0xffff;
	_ =	sdelay $0x4  }
0x2d: {  	s15 =	sadd.s32 $0x10, s14;
	vm1 =	vgt.s32 v0, $0x0  }
0x2e: {  	v2 =	vld.msk [tilespmem:s15+$0x0 ss:$0x1], $0xffff;
	v1 =	vnsel vm1, $0x0, v0  }
0x2f: {  	v1 =	vmin.u32 v1, $0x1FFF;
	_ =	sdelay $0x1  }
0x30: {  	s16 =	sshll.u32 s12, $0x7;
	s18 =	simm.s32 $0x20  }
0x31: {  	s16 =	sand.u32 $0x80, s16;
	s17 =	sadd.s32 $0x10, s15;
	s15 =	sor.u32 $0x100, s14  }
0x32: {  	s14 =	sor.u32 $0x100, s16;
	s16 =	sadd.s32 $0x10, s15;
	v0 =	vld.msk [tilespmem:s17+$0x0 ss:$0x1], $0xffff;
	vm1 =	vgt.s32 v2, $0x0;
	(ifvalue) =	ssetifvalue $0x7FFFFFFF  }
.LBB2_3:
0x33: {  	[tilespmem:s15], [sflag:$0x1] =	stream.indirect_vreg.gather [hbm4b:s2+s10], $0x1, v1, vm0, $0x4038;
	[tilespmem:$0x200] =	vst v63  }
0x34: {  	s18 =	sadd.s32 $0x10, s18  }
0x35: {  	v2 =	vnsel vm1, $0x0, v2;
	p1 =	slt.u32 s18, $0x70  }
.Ltmp3:
0x36: {  	s15 =	smov.u32 s16;
	v1 =	vmin.u32 v2, $0x1FFF;
	(pc) =	sbr.rel @p1 .LBB2_3-.Ltmp3, $3  }
0x37: {  	_ =	sdelay $0x1  }
0x38: {  	s17 =	sadd.s32 $0x10, s17  }
0x39: {  	vm1 =	vgt.s32 v0, $0x0;
	s16 =	sadd.s32 $0x10, s16;
	v2 =	vmov v0;
	(ifvalue) =	ssetifvalue $0x7FFFFFFF;
	v0 =	vld.msk [tilespmem:s17+$0x0 ss:$0x1], $0xffff  }
.Ltmp4:
0x3a: {  	_ = 	snop;
	(pc) =	sbr.rel .LBB2_4-.Ltmp4, $1  }
0x3b: {  	_ =	sdelay $0x3  }
.LBB2_6:
0x3c: {  	_ =	sfence.sel $0x180000  }
0x3d: {  	s2 =	simm.s32 $0x2;
	[bflag:$0x0] =	sbarrier.arrive $0xFFFF  }
0x3e: {  	s30 =	simm.s32 $0x3;
	[sflag:s2] =	ssyncpa.u1 $0x1  }
0x3f: {  	s31 =	simm.s32 $0x1;
	[sflag:s30] =	ssyncpa.u1 $0x1  }
0x40: {  	[sflag:s31] =	ssyncpa.u1 $0x1  }
0x41: {  	p0 =	sne.s32 s0, $0x0;
	_ =	strace $0x90000047  }
0x42: {  	s0 =	sadd.s32 @!p0 $0x100000, s1;
	[bflag:$0x2] =	sbarrier.arrive $0xFFFF  }
0x43: {  	[sflag:s0] =	ssyncadd.tile.s32 @!p0 $0x1;
	_ =	shalt  }
.Lfunc_end2:
_tile_overlayer_lowered:
.L_overlay_start_2:
0x44: {  	(tag) =	ssettag $0x2  }
0x45: {  	s0 =	rddreg [dreg:$0x0];
	s2 =	stileid.u32  }
0x46: {  	s1 =	rddreg [dreg:$0x1];
	p0 =	sne.s32 s2, $0x0  }
0x47: {  	s3 =	rddreg [dreg:$0x2];
	[bflag:$0x3] =	sbarrier.arrive $0xFFFF;
	s2 =	simm.s32 @!p0 $0x1C01  }
0x48: {  	[timem:s3], [sflag:s2] =	dma.local @!p0 [hbm:s0], s1  }
0x49: {  	s0 =	simm.s32 @!p0 $0x1  }
0x4a: {  	_ =	swait.ge @!p0 [sflag:s0], s1  }
0x4b: {  	s1 =	ssub.s32 @!p0 $0x0, s1;
	[sflag:s0] =	ssyncset.done @!p0 $0x0  }
0x4c: {  	[sflag:s0] =	ssyncadd.s32 @!p0 s1  }
0x4d: {  	[bflag:$0x3] =	sbarrier.arrive $0xFFFF  }
0x4e: {  	_ =	shalt  }

// kernel: gather_offload_async_start.3
scs
__scs_entry_jumppad:
0x0: {  	(pc) =	sbr.rel $0x88, $3  }
0x1: {  	(tag) =	ssettag $0x0;
	lr =	simm.s32 $0x1  }
0x2: {  	[smem:$0x3F9D] =	sst lr;
	_ =	strace $0xD0000000  }
0x3: {  	_ = 	snop  }
0x4: {  	_ = 	snop  }
0x5: {  	_ = 	snop  }
0x6: {  	_ = 	snop  }
0x7: {  	_ = 	snop  }
__scs_overlays_trampoline_lowered:
0x8: {  	[smem:$0x3FAC] =	sst s0  }
0x9: {  	[smem:$0x3FAD] =	sst s1  }
0xa: {  	[smem:$0x3FAE] =	sst s2  }
0xb: {  	[smem:$0x3FAF] =	sst s3  }
0xc: {  	[smem:$0x3FB0] =	sst s4  }
0xd: {  	[smem:$0x3FB1] =	sst s5  }
0xe: {  	[smem:$0x3FB2] =	sst s6  }
0xf: {  	[smem:$0x3FB3] =	sst s7  }
0x10: {  	[smem:$0x3FB4] =	sst s8  }
0x11: {  	[smem:$0x3FB5] =	sst s9;
	s0 =	simm.s32 @!p0 $0x0  }
0x12: {  	s1 =	sld [smem:$0x3F9B];
	s0 =	simm.s32 @p0 $0x1  }
0x13: {  	[smem:$0x3FB6] =	sst s0;
	s0 =	simm.s32 @!p1 $0x0  }
0x14: {  	s2 =	sld [smem:$0x3F9A];
	s0 =	simm.s32 @p1 $0x1  }
0x15: {  	[smem:$0x3FB7] =	sst s0;
	s0 =	simm.s32 @!p2 $0x0  }
0x16: {  	s3 =	sld [smem:$0x3FDB];
	s0 =	simm.s32 @p2 $0x1  }
0x17: {  	s4 =	simm.s32 $0x1BF5;
	[smem:$0x3FB9] =	sst s0  }
0x18: {  	s0 =	sld [smem:$0x3F9C];
	_ =	swait.ge [sflag:s4], $0x0  }
0x19: {  	s7 =	sld [smem:$0x3F9D]  }
0x1a: {  	s8 =	sadd.s32 $0xFFFFE003, lr  }
0x1b: {  	s9 =	sadd.s32 $0xFFFFFEF7, lr;
	s5 =	simm.s32 $0xFFFFFFFF;
	p2 =	slt.u32 s8, $0xFFFFF086  }
0x1c: {  	p1 =	slt.u32 s9, $0xF7A;
	s5 =	simm.s32 @!p2 $0x0  }
0x1d: {  	s5 =	simm.s32 @p1 $0x1;
	p0 =	seq.s32 s7, s2  }
0x1e: {  	s7 =	smul.u32 @!p0 $0xF7A, s2;
	p2 =	seq.s32 @!p0 s5, $0x0  }
0x1f: {  	s9 =	smul.u32 $0xF7A, s1;
	s8 =	simm.s32 @!p0 $0x1BF5;
	p2 =	por !p2, p0  }
0x20: {  	[sflag:s8] =	ssyncset.s32 @!p0 $0xFFFFF086;
	s6 =	sadd.s32 @!p0 s3, s7;
	s7 =	simm.s32 @!p0 $0x108  }
0x21: {  	s3 =	sadd.s32 s3, s9;
	s6 =	sadd.s32 @!p0 $0x88, s6;
	s7 =	simm.s32 @p2 $0x1082  }
0x22: {  	[simem:s7], [sflag:s8] =	dma.local @!p0 [hbm:s6], $0xF7A  }
0x23: {  	s9 =	sor.u32 $0xD0000000, s2;
	s6 =	simm.s32 $0x108;
	_ =	swait.ge @!p0 [sflag:s8], $0x0  }
0x24: {  	s3 =	sadd.s32 $0x88, s3;
	s6 =	simm.s32 @!p1 $0x1082;
	[sflag:s4] =	ssyncset.s32 $0xFFFFF086  }
0x25: {  	[simem:s6], [sflag:s4] =	dma.local [hbm:s3], $0xF7A  }
0x26: {  	[smem:$0x3F9D] =	sst s1;
	(tag) =	ssettag s2;
	_ =	strace s9  }
0x27: {  	s1 =	sld [smem:$0x3FAD]  }
0x28: {  	s2 =	sld [smem:$0x3FAE]  }
0x29: {  	s4 =	sld [smem:$0x3FB0]  }
0x2a: {  	p0 =	seq.s32 s5, $0x0;
	s5 =	sld [smem:$0x3FB1]  }
0x2b: {  	s6 =	sld [smem:$0x3FB2]  }
0x2c: {  	s7 =	sld [smem:$0x3FB3]  }
0x2d: {  	s3 =	simm.s32 $0x108;
	s8 =	sld [smem:$0x3FB4]  }
0x2e: {  	s3 =	simm.s32 @!p0 $0x1082;
	s9 =	sld [smem:$0x3FB5]  }
0x2f: {  	lr =	sadd.s32 s0, s3;
	s0 =	sld [smem:$0x3FAC]  }
0x30: {  	s3 =	sld [smem:$0x3FAF]  }
0x31: {  	[smem:$0x3FB8] =	sst s10  }
0x32: {  	s10 =	sld [smem:$0x3FB6];
	_ =	sdelay $0x3  }
0x33: {  	p0 =	seq.s32 s10, $0x1;
	s10 =	sld [smem:$0x3FB8];
	_ =	sdelay $0x3  }
0x34: {  	[smem:$0x3FB8] =	sst s10  }
0x35: {  	s10 =	sld [smem:$0x3FB7];
	_ =	sdelay $0x3  }
0x36: {  	p1 =	seq.s32 s10, $0x1;
	s10 =	sld [smem:$0x3FB8];
	_ =	sdelay $0x3  }
0x37: {  	[smem:$0x3FB8] =	sst s10  }
0x38: {  	s10 =	sld [smem:$0x3FB9]  }
0x39: {  	_ = 	snop;
	(pc) =	sbr.ind lr, $3  }
0x3a: {  	_ = 	snop  }
0x3b: {  	_ = 	snop  }
0x3c: {  	p2 =	seq.s32 s10, $0x1;
	s10 =	sld [smem:$0x3FB8]  }
0x3d: {  	_ =	shalt  }
0x3e: {  	_ =	shalt  }
0x3f: {  	_ =	shalt  }
0x40: {  	_ =	shalt  }
0x41: {  	_ =	shalt  }
0x42: {  	_ =	shalt  }
0x43: {  	_ =	shalt  }
0x44: {  	_ =	shalt  }
0x45: {  	_ =	shalt  }
0x46: {  	_ =	shalt  }
0x47: {  	_ =	shalt  }
0x48: {  	_ =	shalt  }
0x49: {  	_ =	shalt  }
0x4a: {  	_ =	shalt  }
0x4b: {  	_ =	shalt  }
0x4c: {  	_ =	shalt  }
0x4d: {  	_ =	shalt  }
0x4e: {  	_ =	shalt  }
0x4f: {  	_ =	shalt  }
0x50: {  	_ =	shalt  }
0x51: {  	_ =	shalt  }
0x52: {  	_ =	shalt  }
0x53: {  	_ =	shalt  }
0x54: {  	_ =	shalt  }
0x55: {  	_ =	shalt  }
0x56: {  	_ =	shalt  }
0x57: {  	_ =	shalt  }
0x58: {  	_ =	shalt  }
0x59: {  	_ =	shalt  }
0x5a: {  	_ =	shalt  }
0x5b: {  	_ =	shalt  }
0x5c: {  	_ =	shalt  }
0x5d: {  	_ =	shalt  }
0x5e: {  	_ =	shalt  }
0x5f: {  	_ =	shalt  }
0x60: {  	_ =	shalt  }
0x61: {  	_ =	shalt  }
0x62: {  	_ =	shalt  }
0x63: {  	_ =	shalt  }
0x64: {  	_ =	shalt  }
0x65: {  	_ =	shalt  }
0x66: {  	_ =	shalt  }
0x67: {  	_ =	shalt  }
0x68: {  	_ =	shalt  }
0x69: {  	_ =	shalt  }
0x6a: {  	_ =	shalt  }
0x6b: {  	_ =	shalt  }
0x6c: {  	_ =	shalt  }
0x6d: {  	_ =	shalt  }
0x6e: {  	_ =	shalt  }
0x6f: {  	_ =	shalt  }
0x70: {  	_ =	shalt  }
0x71: {  	_ =	shalt  }
0x72: {  	_ =	shalt  }
0x73: {  	_ =	shalt  }
0x74: {  	_ =	shalt  }
0x75: {  	_ =	shalt  }
0x76: {  	_ =	shalt  }
0x77: {  	_ =	shalt  }
0x78: {  	_ =	shalt  }
0x79: {  	_ =	shalt  }
0x7a: {  	_ =	shalt  }
0x7b: {  	_ =	shalt  }
0x7c: {  	_ =	shalt  }
0x7d: {  	_ =	shalt  }
0x7e: {  	_ =	shalt  }
0x7f: {  	_ =	shalt  }
0x80: {  	_ =	shalt  }
0x81: {  	_ =	shalt  }
0x82: {  	_ =	shalt  }
0x83: {  	_ =	shalt  }
0x84: {  	_ =	shalt  }
0x85: {  	_ =	shalt  }
0x86: {  	_ =	shalt  }
0x87: {  	_ =	shalt  }
.Lfunc_end0:
.L_simem_size_0:
called_computation.3_lowered:
.L_overlay_start_0:
0x88: {  	s2 =	sld [smem:$0x3FD9]  }
0x89: {  	s3 =	sld [smem:$0x3FFE];
	_ =	sdelay $0x1  }
0x8a: {  	s1 =	srdreg.scid  }
0x8b: {  	s0 =	sand.u32 $0x1, s1  }
0x8c: {  	s17 =	sshll.u32 s0, $0xA;
	s2 =	sadd.s32 s3, s2  }
0x8d: {  	s2 =	sadd.s32 s2, s17  }
0x8e: {  	[smem:$0x3FC4] =	sst s2  }
0x8f: {  	_ = 	snop  }
0x90: {  	s2 =	sld [smem:$0x3FD0];
	(tm) =	ssettm $0x1  }
0x91: {  	s18 =	sld [smem:$0x3FFB];
	_ =	sdelay $0x3  }
0x92: {  	_ =	strace s18  }
0x93: {  	s3 =	sld [smem:$0x3FFC];
	_ =	sdelay $0x3  }
0x94: {  	_ =	strace s3  }
0x95: {  	s3 =	sld [smem:$0x3FFD];
	_ =	sdelay $0x3  }
0x96: {  	_ =	strace s3  }
0x97: {  	_ =	strace $0x8FFFFFFF  }
0x98: {  	s19 =	sld [smem:$0x3FDB];
	_ =	sdelay $0x1  }
0x99: {  	s4 =	simm.s32 $_scs_section_size  }
0x9a: {  	s5 =	simm.s32 $_size__tile_overlayer_lowered;
	s6 =	simm.s32 $_tile_overlayer_lowered  }
0x9b: {  	s22 =	simm.s32 $0x1BFF;
	s21 =	sshll.u32 s6, $0x1;
	s3 =	sadd.s32 s4, s19  }
0x9c: {  	s7 =	simm.s32 $0x0;
	s20 =	sshll.u32 s5, $0x1;
	s5 =	sadd.s32 s21, s3  }
0x9d: {  	[timem:s7], [sflag:s22] =	dma.local [hbm:s5], s20  }
0x9e: {  	_ =	swait.ge [sflag:s22], s20  }
0x9f: {  	s4 =	ssub.s32 $0x0, s20;
	[sflag:s22] =	ssyncset.done $0x0  }
0xa0: {  	[sflag:s22] =	ssyncadd.s32 s4;
	_ =	sdelay $0x1  }
0xa1: {  	s23 =	simm.s32 $0x1B8B  }
0xa2: {  	_ =	swait.ge [sflag:s23], $0x1  }
0xa3: {  	[sflag:s23] =	ssyncset.done $0x0  }
0xa4: {  	s25 =	simm.s32 $0x1B8E;
	s24 =	sld [smem:$0x3FFE];
	[sflag:s23] =	ssyncadd.s32 $0xFFFFFFFF  }
0xa5: {  	s26 =	simm.s32 $execute0_lowered;
	[smem:$0x3FD2] =	sst s25  }
0xa6: {  	s5 =	sshll.u32 s26, $0x1;
	_ =	strace $0x80000052;
	[dreg:$0x1] =	wrdreg $0xFFFFFFFF  }
0xa7: {  	s28 =	simm.s32 $_size_execute0_lowered;
	s3 =	sadd.s32 s3, s5;
	[dreg:$0x0] =	wrdreg $0x0  }
0xa8: {  	s5 =	sshll.u32 s28, $0x1;
	[dreg:$0x2] =	wrdreg s3  }
0xa9: {  	[dreg:$0x3] =	wrdreg s5  }
0xaa: {  	[dreg:$0x4] =	wrdreg $0xC0  }
0xab: {  	_ =	task [dreg:s7], $0x5FFFF  }
0xac: {  	[dreg:$0x1] =	wrdreg $0xFFFFFFFF  }
0xad: {  	[dreg:$0x0] =	wrdreg $0x60  }
0xae: {  	[dreg:$0x2] =	wrdreg s24  }
0xaf: {  	[dreg:$0x3] =	wrdreg s2  }
0xb0: {  	[dreg:$0x4] =	wrdreg $0x9  }
0xb1: {  	_ =	task.clear_ibuf [dreg:s7], $0x5FFFF;
	_ =	strace $0x90000052  }
0xb2: {  	s29 =	simm.s32 $0x9;
	_ =	strace $0x80000054  }
0xb3: {  	_ =	swait.ge [sflag:s29], $0x1  }
0xb4: {  	[sflag:s29] =	ssyncadd.s32 $0xFFFFFFFF  }
0xb5: {  	_ =	strace $0x90000054  }
0xb6: {  	_ =	sfence  }
0xb7: {  	s30 =	sld [smem:$0x0];
	_ =	sdelay $0x2  }
0xb8: {  	s31 =	sshll.u32 s1, $0xD;
	s1 =	sshrl.u32 s1, $0x2  }
0xb9: {  	s3 =	sand.u32 $0x4000, s31;
	s1 =	sadd.s32 s1, s30  }
0xba: {  	s0 =	sor.u32 s3, s0;
	s1 =	sshll.u32 s1, $0x11  }
0xbb: {  	s0 =	sor.u32 s1, s0  }
0xbc: {  	s0 =	sadd.s32 $0x8F2B, s0  }
0xbd: {  	[sflag:s0] =	ssyncadd.remote.s32 $0x1  }
0xbe: {  	_ =	sfence.sel $0xFFFF  }
0xbf: {  	[dreg:$0x0] =	wrdreg $0xFFFFFFFF;
	(pc) =	sbr.abs _section_cstart, $3  }
0xc0: {  	[dreg:$0x1] =	wrdreg $0xFFFFFFFF  }
0xc1: {  	_ =	task.clear_ibuf [dreg:s7], $0x2FFFF;
	_ =	strace $0x9FFFFFFF  }
0xc2: {  	(tm) =	ssettm $0x7FFFFFFF  }
0xc3: {  	_ =	shalt  }
tec
execute0_lowered:
.L_overlay_start_1:
0x0: {  	(tag) =	ssettag $0x1  }
0x1: {  	s1 =	srdreg.scid;
	s2 =	rddreg [dreg:$0x0]  }
0x2: {  	s0 =	stileid.u32;
	s3 =	rddreg [dreg:$0x1]  }
0x3: {  	s6 =	simm.s32 $0x1;
	s9 =	simm.s32 $0x1;
	s1 =	sshll.u32 s1, $0x7  }
0x4: {  	s10 =	simm.s32 $0x3;
	s4 =	sshll.u32 s0, $0x8;
	s5 =	sand.u32 $0x80, s1  }
0x5: {  	s13 =	simm.s32 $0x0;
	s12 =	simm.s32 $0x0;
	s4 =	sor.u32 s4, s5  }
0x6: {  	s1 =	rddreg [dreg:$0x2];
	_ =	strace $0x80000053;
	s8 =	ssub.s32 $0x2000, s4  }
.Ltmp0:
0x7: {  	s5 =	sadd.s32 $0x40C00, s2;
	s7 =	sand.u32 $0xF80, s8;
	(pc) =	sbr.rel .LBB2_1-.Ltmp0, $4  }
0x8: {  	[sflag:s6] =	ssyncpa.u1 $0x0;
	s11 =	smov.u32 s4;
	p0 =	sne.s32 s7, $0x0  }
0x9: {  	s8 =	sshrl.u32 s8, $0xC;
	s7 =	simm.s32 $0x2;
	s9 =	simm.s32 @!p0 $0x0  }
0xa: {  	[sflag:s7] =	ssyncpa.u1 $0x0;
	p0 =	por $0x0, $0x0;
	s8 =	sadd.s32 s9, s8  }
0xb: {  	vm0 =	vmmov $0xffff;
	[sflag:s10] =	ssyncpa.u1 $0x0;
	s10 =	simm.s32 $0x0;
	s9 =	sadd.s32 $0x1, s8  }
.LBB2_4:
0xc: {  	v2 =	vnsel vm1, $0x0, v2  }
0xd: {  	vm1 =	vgt.s32 v0, $0x0;
	v2 =	vmin.u32 v2, $0x1FFF  }
0xe: {  	v0 =	vnsel vm1, $0x0, v0  }
0xf: {  	v0 =	vmin.u32 v0, $0x1FFF  }
0x10: {  	[tilespmem:s15], [sflag:$0x1] =	stream.indirect_vreg.gather [hbm4b:s2+s10], $0x1, v1, vm0, $0x4038;
	[tilespmem:$0x200] =	vst v63  }
0x11: {  	(ifvalue) =	ssetifvalue $0x7FFFFFFF  }
0x12: {  	[tilespmem:s16], [sflag:$0x1] =	stream.indirect_vreg.gather [hbm4b:s2+s10], $0x1, v2, vm0, $0x4038;
	[tilespmem:$0x200] =	vst v63  }
0x13: {  	s29 =	sadd.s32 $0x10, s16;
	(ifvalue) =	ssetifvalue $0x7FFFFFFF  }
0x14: {  	[tilespmem:s29], [sflag:$0x1] =	stream.indirect_vreg.gather [hbm4b:s2+s10], $0x1, v0, vm0, $0x4038;
	[tilespmem:$0x200] =	vst v63  }
0x15: {  	_ =	swait.ge [sflag:s6], $0x80  }
0x16: {  	s30 =	sshrl.u32 s13, $0x3;
	[sflag:s6] =	ssyncset.done $0x0  }
0x17: {  	s31 =	sand.u32 $0x7, s13;
	s15 =	sadd.s32 s3, s30;
	[sflag:s6] =	ssyncadd.s32 $0xFFFFFF80  }
0x18: {  	[hbm4b:s15+s31] =	stream.linear.scatter [tilespmem:s14], [sflag:$0x3], $0x80, $0x38;
	[tilespmem:$0x200] =	vst v63  }
.LBB2_5:
0x19: {  	s15 =	sadd.s32 $0x1000, s11  }
0x1a: {  	p2 =	sgt.s32 s15, $0x1FFF  }
0x1b: {  	s15 =	smov.u32 @p2 s4;
	p2 =	sne.s32 s12, s9  }
.Ltmp1:
0x1c: {  	p1 =	slt.u32 s12, $0x2;
	(pc) =	sbr.rel @!p2 .LBB2_6-.Ltmp1, $4  }
0x1d: {  	s14 =	simm.s32 @!p1 $0x3  }
0x1e: {  	s16 =	sadd.s32 $0x1, s12;
	_ =	swait.ge @!p1 [sflag:s14], $0x80  }
0x1f: {  	s13 =	smov.u32 s11;
	p0 =	por !p0, !p0;
	[sflag:s14] =	ssyncset.done @!p1 $0x0  }
0x20: {  	s12 =	smov.u32 s16;
	s11 =	smov.u32 s15;
	[sflag:s14] =	ssyncadd.s32 @!p1 $0xFFFFFF80  }
.LBB2_1:
0x21: {  	p1 =	sge.u32 s12, s8  }
0x22: {  	s14 =	sxor.u32 @!p1 $0xFFFFFFFF, s12  }
0x23: {  	s31 =	sadd.s32 $0xFFFFFFFF, s12;
	s15 =	sshrl.u32 @!p1 s11, $0x3;
	s14 =	sshll.u32 @!p1 s14, $0x7  }
0x24: {  	s16 =	sand.u32 @!p1 $0x7, s11;
	s15 =	sadd.s32 @!p1 s5, s15;
	s14 =	sand.u32 @!p1 $0x80, s14  }
0x25: {  	[tilespmem:s14], [sflag:$0x2] =	stream.linear.gather @!p1 [hbm4b:s15+s16], $0x80, $0x38;
	[tilespmem:$0x200] =	vst v63  }
0x26: {  	p1 =	sge.u32 s31, s8  }
.Ltmp2:
0x27: {  	_ = 	snop;
	(pc) =	sbr.rel @p1 .LBB2_5-.Ltmp2, $1  }
0x28: {  	_ =	sdelay $0x3  }
0x29: {  	s14 =	simm.s32 $0x1  }
0x2a: {  	_ =	swait.ge [sflag:s7], $0x80;
	s14 =	simm.s32 @!p0 $0x0  }
0x2b: {  	[sflag:s7] =	ssyncset.done $0x0;
	s14 =	sshll.u32 s14, $0x7  }
0x2c: {  	[sflag:s7] =	ssyncadd.s32 $0xFFFFFF80;
	(ifvalue) =	ssetifvalue $0x7FFFFFFF;
	v0 =	vld.msk [tilespmem:s14+$0x0 ss:$0x1], $0xffff;
	_ =	sdelay $0x4  }
0x2d: {  	s15 =	sadd.s32 $0x10, s14;
	vm1 =	vgt.s32 v0, $0x0  }
0x2e: {  	v2 =	vld.msk [tilespmem:s15+$0x0 ss:$0x1], $0xffff;
	v1 =	vnsel vm1, $0x0, v0  }
0x2f: {  	v1 =	vmin.u32 v1, $0x1FFF;
	_ =	sdelay $0x1  }
0x30: {  	s16 =	sshll.u32 s12, $0x7;
	s18 =	simm.s32 $0x20  }
0x31: {  	s16 =	sand.u32 $0x80, s16;
	s17 =	sadd.s32 $0x10, s15;
	s15 =	sor.u32 $0x100, s14  }
0x32: {  	s14 =	sor.u32 $0x100, s16;
	s16 =	sadd.s32 $0x10, s15;
	v0 =	vld.msk [tilespmem:s17+$0x0 ss:$0x1], $0xffff;
	vm1 =	vgt.s32 v2, $0x0;
	(ifvalue) =	ssetifvalue $0x7FFFFFFF  }
.LBB2_3:
0x33: {  	[tilespmem:s15], [sflag:$0x1] =	stream.indirect_vreg.gather [hbm4b:s2+s10], $0x1, v1, vm0, $0x4038;
	[tilespmem:$0x200] =	vst v63  }
0x34: {  	s18 =	sadd.s32 $0x10, s18  }
0x35: {  	v2 =	vnsel vm1, $0x0, v2;
	p1 =	slt.u32 s18, $0x70  }
.Ltmp3:
0x36: {  	s15 =	smov.u32 s16;
	v1 =	vmin.u32 v2, $0x1FFF;
	(pc) =	sbr.rel @p1 .LBB2_3-.Ltmp3, $3  }
0x37: {  	_ =	sdelay $0x1  }
0x38: {  	s17 =	sadd.s32 $0x10, s17  }
0x39: {  	vm1 =	vgt.s32 v0, $0x0;
	s16 =	sadd.s32 $0x10, s16;
	v2 =	vmov v0;
	(ifvalue) =	ssetifvalue $0x7FFFFFFF;
	v0 =	vld.msk [tilespmem:s17+$0x0 ss:$0x1], $0xffff  }
.Ltmp4:
0x3a: {  	_ = 	snop;
	(pc) =	sbr.rel .LBB2_4-.Ltmp4, $1  }
0x3b: {  	_ =	sdelay $0x3  }
.LBB2_6:
0x3c: {  	_ =	sfence.sel $0x180000  }
0x3d: {  	s2 =	simm.s32 $0x2;
	[bflag:$0x0] =	sbarrier.arrive $0xFFFF  }
0x3e: {  	s30 =	simm.s32 $0x3;
	[sflag:s2] =	ssyncpa.u1 $0x1  }
0x3f: {  	s31 =	simm.s32 $0x1;
	[sflag:s30] =	ssyncpa.u1 $0x1  }
0x40: {  	[sflag:s31] =	ssyncpa.u1 $0x1  }
0x41: {  	p0 =	sne.s32 s0, $0x0;
	_ =	strace $0x90000053  }
0x42: {  	s0 =	sadd.s32 @!p0 $0x100000, s1;
	[bflag:$0x2] =	sbarrier.arrive $0xFFFF  }
0x43: {  	[sflag:s0] =	ssyncadd.tile.s32 @!p0 $0x1;
	_ =	shalt  }
.Lfunc_end2:
_tile_overlayer_lowered:
.L_overlay_start_2:
0x44: {  	(tag) =	ssettag $0x2  }
0x45: {  	s0 =	rddreg [dreg:$0x0];
	s2 =	stileid.u32  }
0x46: {  	s1 =	rddreg [dreg:$0x1];
	p0 =	sne.s32 s2, $0x0  }
0x47: {  	s3 =	rddreg [dreg:$0x2];
	[bflag:$0x3] =	sbarrier.arrive $0xFFFF;
	s2 =	simm.s32 @!p0 $0x1C01  }
0x48: {  	[timem:s3], [sflag:s2] =	dma.local @!p0 [hbm:s0], s1  }
0x49: {  	s0 =	simm.s32 @!p0 $0x1  }
0x4a: {  	_ =	swait.ge @!p0 [sflag:s0], s1  }
0x4b: {  	s1 =	ssub.s32 @!p0 $0x0, s1;
	[sflag:s0] =	ssyncset.done @!p0 $0x0  }
0x4c: {  	[sflag:s0] =	ssyncadd.s32 @!p0 s1  }
0x4d: {  	[bflag:$0x3] =	sbarrier.arrive $0xFFFF  }
0x4e: {  	_ =	shalt  }

// kernel: gather_offload_async_start
scs
__scs_entry_jumppad:
0x0: {  	(pc) =	sbr.rel $0x88, $3  }
0x1: {  	(tag) =	ssettag $0x0;
	lr =	simm.s32 $0x1  }
0x2: {  	[smem:$0x3F9D] =	sst lr;
	_ =	strace $0xD0000000  }
0x3: {  	_ = 	snop  }
0x4: {  	_ = 	snop  }
0x5: {  	_ = 	snop  }
0x6: {  	_ = 	snop  }
0x7: {  	_ = 	snop  }
__scs_overlays_trampoline_lowered:
0x8: {  	[smem:$0x3FAC] =	sst s0  }
0x9: {  	[smem:$0x3FAD] =	sst s1  }
0xa: {  	[smem:$0x3FAE] =	sst s2  }
0xb: {  	[smem:$0x3FAF] =	sst s3  }
0xc: {  	[smem:$0x3FB0] =	sst s4  }
0xd: {  	[smem:$0x3FB1] =	sst s5  }
0xe: {  	[smem:$0x3FB2] =	sst s6  }
0xf: {  	[smem:$0x3FB3] =	sst s7  }
0x10: {  	[smem:$0x3FB4] =	sst s8  }
0x11: {  	[smem:$0x3FB5] =	sst s9;
	s0 =	simm.s32 @!p0 $0x0  }
0x12: {  	s1 =	sld [smem:$0x3F9B];
	s0 =	simm.s32 @p0 $0x1  }
0x13: {  	[smem:$0x3FB6] =	sst s0;
	s0 =	simm.s32 @!p1 $0x0  }
0x14: {  	s2 =	sld [smem:$0x3F9A];
	s0 =	simm.s32 @p1 $0x1  }
0x15: {  	[smem:$0x3FB7] =	sst s0;
	s0 =	simm.s32 @!p2 $0x0  }
0x16: {  	s3 =	sld [smem:$0x3FDB];
	s0 =	simm.s32 @p2 $0x1  }
0x17: {  	s4 =	simm.s32 $0x1BF5;
	[smem:$0x3FB9] =	sst s0  }
0x18: {  	s0 =	sld [smem:$0x3F9C];
	_ =	swait.ge [sflag:s4], $0x0  }
0x19: {  	s7 =	sld [smem:$0x3F9D]  }
0x1a: {  	s8 =	sadd.s32 $0xFFFFE003, lr  }
0x1b: {  	s9 =	sadd.s32 $0xFFFFFEF7, lr;
	s5 =	simm.s32 $0xFFFFFFFF;
	p2 =	slt.u32 s8, $0xFFFFF086  }
0x1c: {  	p1 =	slt.u32 s9, $0xF7A;
	s5 =	simm.s32 @!p2 $0x0  }
0x1d: {  	s5 =	simm.s32 @p1 $0x1;
	p0 =	seq.s32 s7, s2  }
0x1e: {  	s7 =	smul.u32 @!p0 $0xF7A, s2;
	p2 =	seq.s32 @!p0 s5, $0x0  }
0x1f: {  	s9 =	smul.u32 $0xF7A, s1;
	s8 =	simm.s32 @!p0 $0x1BF5;
	p2 =	por !p2, p0  }
0x20: {  	[sflag:s8] =	ssyncset.s32 @!p0 $0xFFFFF086;
	s6 =	sadd.s32 @!p0 s3, s7;
	s7 =	simm.s32 @!p0 $0x108  }
0x21: {  	s3 =	sadd.s32 s3, s9;
	s6 =	sadd.s32 @!p0 $0x88, s6;
	s7 =	simm.s32 @p2 $0x1082  }
0x22: {  	[simem:s7], [sflag:s8] =	dma.local @!p0 [hbm:s6], $0xF7A  }
0x23: {  	s9 =	sor.u32 $0xD0000000, s2;
	s6 =	simm.s32 $0x108;
	_ =	swait.ge @!p0 [sflag:s8], $0x0  }
0x24: {  	s3 =	sadd.s32 $0x88, s3;
	s6 =	simm.s32 @!p1 $0x1082;
	[sflag:s4] =	ssyncset.s32 $0xFFFFF086  }
0x25: {  	[simem:s6], [sflag:s4] =	dma.local [hbm:s3], $0xF7A  }
0x26: {  	[smem:$0x3F9D] =	sst s1;
	(tag) =	ssettag s2;
	_ =	strace s9  }
0x27: {  	s1 =	sld [smem:$0x3FAD]  }
0x28: {  	s2 =	sld [smem:$0x3FAE]  }
0x29: {  	s4 =	sld [smem:$0x3FB0]  }
0x2a: {  	p0 =	seq.s32 s5, $0x0;
	s5 =	sld [smem:$0x3FB1]  }
0x2b: {  	s6 =	sld [smem:$0x3FB2]  }
0x2c: {  	s7 =	sld [smem:$0x3FB3]  }
0x2d: {  	s3 =	simm.s32 $0x108;
	s8 =	sld [smem:$0x3FB4]  }
0x2e: {  	s3 =	simm.s32 @!p0 $0x1082;
	s9 =	sld [smem:$0x3FB5]  }
0x2f: {  	lr =	sadd.s32 s0, s3;
	s0 =	sld [smem:$0x3FAC]  }
0x30: {  	s3 =	sld [smem:$0x3FAF]  }
0x31: {  	[smem:$0x3FB8] =	sst s10  }
0x32: {  	s10 =	sld [smem:$0x3FB6];
	_ =	sdelay $0x3  }
0x33: {  	p0 =	seq.s32 s10, $0x1;
	s10 =	sld [smem:$0x3FB8];
	_ =	sdelay $0x3  }
0x34: {  	[smem:$0x3FB8] =	sst s10  }
0x35: {  	s10 =	sld [smem:$0x3FB7];
	_ =	sdelay $0x3  }
0x36: {  	p1 =	seq.s32 s10, $0x1;
	s10 =	sld [smem:$0x3FB8];
	_ =	sdelay $0x3  }
0x37: {  	[smem:$0x3FB8] =	sst s10  }
0x38: {  	s10 =	sld [smem:$0x3FB9]  }
0x39: {  	_ = 	snop;
	(pc) =	sbr.ind lr, $3  }
0x3a: {  	_ = 	snop  }
0x3b: {  	_ = 	snop  }
0x3c: {  	p2 =	seq.s32 s10, $0x1;
	s10 =	sld [smem:$0x3FB8]  }
0x3d: {  	_ =	shalt  }
0x3e: {  	_ =	shalt  }
0x3f: {  	_ =	shalt  }
0x40: {  	_ =	shalt  }
0x41: {  	_ =	shalt  }
0x42: {  	_ =	shalt  }
0x43: {  	_ =	shalt  }
0x44: {  	_ =	shalt  }
0x45: {  	_ =	shalt  }
0x46: {  	_ =	shalt  }
0x47: {  	_ =	shalt  }
0x48: {  	_ =	shalt  }
0x49: {  	_ =	shalt  }
0x4a: {  	_ =	shalt  }
0x4b: {  	_ =	shalt  }
0x4c: {  	_ =	shalt  }
0x4d: {  	_ =	shalt  }
0x4e: {  	_ =	shalt  }
0x4f: {  	_ =	shalt  }
0x50: {  	_ =	shalt  }
0x51: {  	_ =	shalt  }
0x52: {  	_ =	shalt  }
0x53: {  	_ =	shalt  }
0x54: {  	_ =	shalt  }
0x55: {  	_ =	shalt  }
0x56: {  	_ =	shalt  }
0x57: {  	_ =	shalt  }
0x58: {  	_ =	shalt  }
0x59: {  	_ =	shalt  }
0x5a: {  	_ =	shalt  }
0x5b: {  	_ =	shalt  }
0x5c: {  	_ =	shalt  }
0x5d: {  	_ =	shalt  }
0x5e: {  	_ =	shalt  }
0x5f: {  	_ =	shalt  }
0x60: {  	_ =	shalt  }
0x61: {  	_ =	shalt  }
0x62: {  	_ =	shalt  }
0x63: {  	_ =	shalt  }
0x64: {  	_ =	shalt  }
0x65: {  	_ =	shalt  }
0x66: {  	_ =	shalt  }
0x67: {  	_ =	shalt  }
0x68: {  	_ =	shalt  }
0x69: {  	_ =	shalt  }
0x6a: {  	_ =	shalt  }
0x6b: {  	_ =	shalt  }
0x6c: {  	_ =	shalt  }
0x6d: {  	_ =	shalt  }
0x6e: {  	_ =	shalt  }
0x6f: {  	_ =	shalt  }
0x70: {  	_ =	shalt  }
0x71: {  	_ =	shalt  }
0x72: {  	_ =	shalt  }
0x73: {  	_ =	shalt  }
0x74: {  	_ =	shalt  }
0x75: {  	_ =	shalt  }
0x76: {  	_ =	shalt  }
0x77: {  	_ =	shalt  }
0x78: {  	_ =	shalt  }
0x79: {  	_ =	shalt  }
0x7a: {  	_ =	shalt  }
0x7b: {  	_ =	shalt  }
0x7c: {  	_ =	shalt  }
0x7d: {  	_ =	shalt  }
0x7e: {  	_ =	shalt  }
0x7f: {  	_ =	shalt  }
0x80: {  	_ =	shalt  }
0x81: {  	_ =	shalt  }
0x82: {  	_ =	shalt  }
0x83: {  	_ =	shalt  }
0x84: {  	_ =	shalt  }
0x85: {  	_ =	shalt  }
0x86: {  	_ =	shalt  }
0x87: {  	_ =	shalt  }
.Lfunc_end0:
.L_simem_size_0:
called_computation_lowered:
.L_overlay_start_0:
0x88: {  	s2 =	sld [smem:$0x3FD9]  }
0x89: {  	s3 =	sld [smem:$0x3FFE];
	_ =	sdelay $0x1  }
0x8a: {  	s1 =	srdreg.scid  }
0x8b: {  	s0 =	sand.u32 $0x1, s1  }
0x8c: {  	s17 =	sshll.u32 s0, $0xA;
	s2 =	sadd.s32 s3, s2  }
0x8d: {  	s2 =	sadd.s32 s2, s17  }
0x8e: {  	[smem:$0x3FC4] =	sst s2  }
0x8f: {  	_ = 	snop  }
0x90: {  	s2 =	sld [smem:$0x3FC7]  }
0x91: {  	s18 =	sld [smem:$0x3FD0];
	(tm) =	ssettm $0x1  }
0x92: {  	s4 =	sld [smem:$0x3FFB];
	_ =	sdelay $0x3  }
0x93: {  	_ =	strace s4  }
0x94: {  	s4 =	sld [smem:$0x3FFC];
	_ =	sdelay $0x3  }
0x95: {  	_ =	strace s4  }
0x96: {  	s4 =	sld [smem:$0x3FFD];
	_ =	sdelay $0x3  }
0x97: {  	_ =	strace s4  }
0x98: {  	_ =	strace $0x8FFFFFFF  }
0x99: {  	s19 =	sld [smem:$0x3FDB];
	_ =	sdelay $0x1  }
0x9a: {  	s5 =	simm.s32 $_scs_section_size  }
0x9b: {  	s6 =	simm.s32 $_size__tile_overlayer_lowered;
	s7 =	simm.s32 $_tile_overlayer_lowered  }
0x9c: {  	s22 =	simm.s32 $0x1BFF;
	s21 =	sshll.u32 s7, $0x1;
	s4 =	sadd.s32 s5, s19  }
0x9d: {  	s8 =	simm.s32 $0x0;
	s20 =	sshll.u32 s6, $0x1;
	s6 =	sadd.s32 s21, s4  }
0x9e: {  	[timem:s8], [sflag:s22] =	dma.local [hbm:s6], s20  }
0x9f: {  	_ =	swait.ge [sflag:s22], s20  }
0xa0: {  	s5 =	ssub.s32 $0x0, s20;
	[sflag:s22] =	ssyncset.done $0x0  }
0xa1: {  	[sflag:s22] =	ssyncadd.s32 s5;
	_ =	sdelay $0x1  }
0xa2: {  	s23 =	simm.s32 $0x1B8B  }
0xa3: {  	_ =	swait.ge [sflag:s23], $0x1  }
0xa4: {  	[sflag:s23] =	ssyncset.done $0x0  }
0xa5: {  	s25 =	simm.s32 $0x1B8E;
	s24 =	sld [smem:$0x3FFE];
	[sflag:s23] =	ssyncadd.s32 $0xFFFFFFFF  }
0xa6: {  	s26 =	simm.s32 $execute0_lowered;
	[smem:$0x3FD2] =	sst s25  }
0xa7: {  	s6 =	sshll.u32 s26, $0x1;
	_ =	strace $0x8000004C;
	[dreg:$0x1] =	wrdreg $0xFFFFFFFF  }
0xa8: {  	s28 =	simm.s32 $_size_execute0_lowered;
	s4 =	sadd.s32 s4, s6;
	[dreg:$0x0] =	wrdreg $0x0  }
0xa9: {  	s6 =	sshll.u32 s28, $0x1;
	[dreg:$0x2] =	wrdreg s4  }
0xaa: {  	[dreg:$0x3] =	wrdreg s6  }
0xab: {  	[dreg:$0x4] =	wrdreg $0xC0  }
0xac: {  	_ =	task [dreg:s8], $0x5FFFF  }
0xad: {  	[dreg:$0x1] =	wrdreg $0xFFFFFFFF  }
0xae: {  	[dreg:$0x0] =	wrdreg $0x60  }
0xaf: {  	[dreg:$0x2] =	wrdreg s2  }
0xb0: {  	[dreg:$0x3] =	wrdreg s18  }
0xb1: {  	[dreg:$0x4] =	wrdreg s24  }
0xb2: {  	[dreg:$0x5] =	wrdreg $0x9  }
0xb3: {  	_ =	task.clear_ibuf [dreg:s8], $0x6FFFF;
	_ =	strace $0x9000004C  }
0xb4: {  	s29 =	simm.s32 $0x9;
	_ =	strace $0x8000004E  }
0xb5: {  	_ =	swait.ge [sflag:s29], $0x1  }
0xb6: {  	[sflag:s29] =	ssyncadd.s32 $0xFFFFFFFF  }
0xb7: {  	_ =	strace $0x9000004E  }
0xb8: {  	_ =	sfence  }
0xb9: {  	s30 =	sld [smem:$0x0];
	_ =	sdelay $0x2  }
0xba: {  	s31 =	sshll.u32 s1, $0xD;
	s1 =	sshrl.u32 s1, $0x2  }
0xbb: {  	s3 =	sand.u32 $0x4000, s31;
	s1 =	sadd.s32 s1, s30  }
0xbc: {  	s0 =	sor.u32 s3, s0;
	s1 =	sshll.u32 s1, $0x11  }
0xbd: {  	s0 =	sor.u32 s1, s0  }
0xbe: {  	s0 =	sadd.s32 $0x8F2B, s0  }
0xbf: {  	[sflag:s0] =	ssyncadd.remote.s32 $0x1  }
0xc0: {  	_ =	sfence.sel $0xFFFF  }
0xc1: {  	[dreg:$0x0] =	wrdreg $0xFFFFFFFF;
	(pc) =	sbr.abs _section_cstart, $3  }
0xc2: {  	[dreg:$0x1] =	wrdreg $0xFFFFFFFF  }
0xc3: {  	_ =	task.clear_ibuf [dreg:s8], $0x2FFFF;
	_ =	strace $0x9FFFFFFF  }
0xc4: {  	(tm) =	ssettm $0x7FFFFFFF  }
0xc5: {  	_ =	shalt  }
tec
execute0_lowered:
.L_overlay_start_1:
0x0: {  	(tag) =	ssettag $0x1  }
0x1: {  	s2 =	rddreg [dreg:$0x0]  }
0x2: {  	s1 =	srdreg.scid;
	s3 =	rddreg [dreg:$0x1]  }
0x3: {  	s0 =	stileid.u32;
	s5 =	rddreg [dreg:$0x2]  }
0x4: {  	s9 =	simm.s32 $0x1;
	s10 =	simm.s32 $0x3;
	s1 =	sshll.u32 s1, $0x7  }
0x5: {  	s13 =	simm.s32 $0x0;
	s4 =	sshll.u32 s0, $0x8;
	s6 =	sand.u32 $0x80, s1  }
0x6: {  	s12 =	simm.s32 $0x0;
	s5 =	sadd.s32 $0x800, s5;
	s4 =	sor.u32 s4, s6  }
0x7: {  	s1 =	rddreg [dreg:$0x3];
	_ =	strace $0x8000004D;
	s8 =	ssub.s32 $0x2000, s4  }
.Ltmp0:
0x8: {  	s6 =	simm.s32 $0x1;
	s7 =	sand.u32 $0xF80, s8;
	(pc) =	sbr.rel .LBB2_1-.Ltmp0, $4  }
0x9: {  	[sflag:s6] =	ssyncpa.u1 $0x0;
	s11 =	smov.u32 s4;
	p0 =	sne.s32 s7, $0x0  }
0xa: {  	s8 =	sshrl.u32 s8, $0xC;
	s7 =	simm.s32 $0x2;
	s9 =	simm.s32 @!p0 $0x0  }
0xb: {  	[sflag:s7] =	ssyncpa.u1 $0x0;
	p0 =	por $0x0, $0x0;
	s8 =	sadd.s32 s9, s8  }
0xc: {  	vm0 =	vmmov $0xffff;
	[sflag:s10] =	ssyncpa.u1 $0x0;
	s10 =	simm.s32 $0x0;
	s9 =	sadd.s32 $0x1, s8  }
.LBB2_4:
0xd: {  	v2 =	vnsel vm1, $0x0, v2  }
0xe: {  	vm1 =	vgt.s32 v0, $0x0;
	v2 =	vmin.u32 v2, $0x1FFF  }
0xf: {  	v0 =	vnsel vm1, $0x0, v0  }
0x10: {  	v0 =	vmin.u32 v0, $0x1FFF  }
0x11: {  	[tilespmem:s15], [sflag:$0x1] =	stream.indirect_vreg.gather [hbm4b:s2+s10], $0x1, v1, vm0, $0x4038;
	[tilespmem:$0x200] =	vst v63  }
0x12: {  	(ifvalue) =	ssetifvalue $0x7FFFFFFF  }
0x13: {  	[tilespmem:s16], [sflag:$0x1] =	stream.indirect_vreg.gather [hbm4b:s2+s10], $0x1, v2, vm0, $0x4038;
	[tilespmem:$0x200] =	vst v63  }
0x14: {  	s29 =	sadd.s32 $0x10, s16;
	(ifvalue) =	ssetifvalue $0x7FFFFFFF  }
0x15: {  	[tilespmem:s29], [sflag:$0x1] =	stream.indirect_vreg.gather [hbm4b:s2+s10], $0x1, v0, vm0, $0x4038;
	[tilespmem:$0x200] =	vst v63  }
0x16: {  	_ =	swait.ge [sflag:s6], $0x80  }
0x17: {  	s30 =	sshrl.u32 s13, $0x3;
	[sflag:s6] =	ssyncset.done $0x0  }
0x18: {  	s31 =	sand.u32 $0x7, s13;
	s15 =	sadd.s32 s5, s30;
	[sflag:s6] =	ssyncadd.s32 $0xFFFFFF80  }
0x19: {  	[hbm4b:s15+s31] =	stream.linear.scatter [tilespmem:s14], [sflag:$0x3], $0x80, $0x38;
	[tilespmem:$0x200] =	vst v63  }
.LBB2_5:
0x1a: {  	s15 =	sadd.s32 $0x1000, s11  }
0x1b: {  	p2 =	sgt.s32 s15, $0x1FFF  }
0x1c: {  	s15 =	smov.u32 @p2 s4;
	p2 =	sne.s32 s12, s9  }
.Ltmp1:
0x1d: {  	p1 =	slt.u32 s12, $0x2;
	(pc) =	sbr.rel @!p2 .LBB2_6-.Ltmp1, $4  }
0x1e: {  	s14 =	simm.s32 @!p1 $0x3  }
0x1f: {  	s16 =	sadd.s32 $0x1, s12;
	_ =	swait.ge @!p1 [sflag:s14], $0x80  }
0x20: {  	s13 =	smov.u32 s11;
	p0 =	por !p0, !p0;
	[sflag:s14] =	ssyncset.done @!p1 $0x0  }
0x21: {  	s12 =	smov.u32 s16;
	s11 =	smov.u32 s15;
	[sflag:s14] =	ssyncadd.s32 @!p1 $0xFFFFFF80  }
.LBB2_1:
0x22: {  	p1 =	sge.u32 s12, s8  }
0x23: {  	s14 =	sxor.u32 @!p1 $0xFFFFFFFF, s12  }
0x24: {  	s31 =	sadd.s32 $0xFFFFFFFF, s12;
	s15 =	sshrl.u32 @!p1 s11, $0x3;
	s14 =	sshll.u32 @!p1 s14, $0x7  }
0x25: {  	s16 =	sand.u32 @!p1 $0x7, s11;
	s15 =	sadd.s32 @!p1 s3, s15;
	s14 =	sand.u32 @!p1 $0x80, s14  }
0x26: {  	[tilespmem:s14], [sflag:$0x2] =	stream.linear.gather @!p1 [hbm4b:s15+s16], $0x80, $0x38;
	[tilespmem:$0x200] =	vst v63  }
0x27: {  	p1 =	sge.u32 s31, s8  }
.Ltmp2:
0x28: {  	_ = 	snop;
	(pc) =	sbr.rel @p1 .LBB2_5-.Ltmp2, $1  }
0x29: {  	_ =	sdelay $0x3  }
0x2a: {  	s14 =	simm.s32 $0x1  }
0x2b: {  	_ =	swait.ge [sflag:s7], $0x80;
	s14 =	simm.s32 @!p0 $0x0  }
0x2c: {  	[sflag:s7] =	ssyncset.done $0x0;
	s14 =	sshll.u32 s14, $0x7  }
0x2d: {  	[sflag:s7] =	ssyncadd.s32 $0xFFFFFF80;
	(ifvalue) =	ssetifvalue $0x7FFFFFFF;
	v0 =	vld.msk [tilespmem:s14+$0x0 ss:$0x1], $0xffff;
	_ =	sdelay $0x4  }
0x2e: {  	s15 =	sadd.s32 $0x10, s14;
	vm1 =	vgt.s32 v0, $0x0  }
0x2f: {  	v2 =	vld.msk [tilespmem:s15+$0x0 ss:$0x1], $0xffff;
	v1 =	vnsel vm1, $0x0, v0  }
0x30: {  	v1 =	vmin.u32 v1, $0x1FFF;
	_ =	sdelay $0x1  }
0x31: {  	s16 =	sshll.u32 s12, $0x7;
	s18 =	simm.s32 $0x20  }
0x32: {  	s16 =	sand.u32 $0x80, s16;
	s17 =	sadd.s32 $0x10, s15;
	s15 =	sor.u32 $0x100, s14  }
0x33: {  	s14 =	sor.u32 $0x100, s16;
	s16 =	sadd.s32 $0x10, s15;
	v0 =	vld.msk [tilespmem:s17+$0x0 ss:$0x1], $0xffff;
	vm1 =	vgt.s32 v2, $0x0;
	(ifvalue) =	ssetifvalue $0x7FFFFFFF  }
.LBB2_3:
0x34: {  	[tilespmem:s15], [sflag:$0x1] =	stream.indirect_vreg.gather [hbm4b:s2+s10], $0x1, v1, vm0, $0x4038;
	[tilespmem:$0x200] =	vst v63  }
0x35: {  	s18 =	sadd.s32 $0x10, s18  }
0x36: {  	v2 =	vnsel vm1, $0x0, v2;
	p1 =	slt.u32 s18, $0x70  }
.Ltmp3:
0x37: {  	s15 =	smov.u32 s16;
	v1 =	vmin.u32 v2, $0x1FFF;
	(pc) =	sbr.rel @p1 .LBB2_3-.Ltmp3, $3  }
0x38: {  	_ =	sdelay $0x1  }
0x39: {  	s17 =	sadd.s32 $0x10, s17  }
0x3a: {  	vm1 =	vgt.s32 v0, $0x0;
	s16 =	sadd.s32 $0x10, s16;
	v2 =	vmov v0;
	(ifvalue) =	ssetifvalue $0x7FFFFFFF;
	v0 =	vld.msk [tilespmem:s17+$0x0 ss:$0x1], $0xffff  }
.Ltmp4:
0x3b: {  	_ = 	snop;
	(pc) =	sbr.rel .LBB2_4-.Ltmp4, $1  }
0x3c: {  	_ =	sdelay $0x3  }
.LBB2_6:
0x3d: {  	_ =	sfence.sel $0x180000  }
0x3e: {  	s2 =	simm.s32 $0x2;
	[bflag:$0x0] =	sbarrier.arrive $0xFFFF  }
0x3f: {  	s30 =	simm.s32 $0x3;
	[sflag:s2] =	ssyncpa.u1 $0x1  }
0x40: {  	s31 =	simm.s32 $0x1;
	[sflag:s30] =	ssyncpa.u1 $0x1  }
0x41: {  	[sflag:s31] =	ssyncpa.u1 $0x1  }
0x42: {  	p0 =	sne.s32 s0, $0x0;
	_ =	strace $0x9000004D  }
0x43: {  	s0 =	sadd.s32 @!p0 $0x100000, s1;
	[bflag:$0x2] =	sbarrier.arrive $0xFFFF  }
0x44: {  	[sflag:s0] =	ssyncadd.tile.s32 @!p0 $0x1;
	_ =	shalt  }
.Lfunc_end2:
_tile_overlayer_lowered:
.L_overlay_start_2:
0x45: {  	(tag) =	ssettag $0x2  }
0x46: {  	s0 =	rddreg [dreg:$0x0];
	s2 =	stileid.u32  }
0x47: {  	s1 =	rddreg [dreg:$0x1];
	p0 =	sne.s32 s2, $0x0  }
0x48: {  	s3 =	rddreg [dreg:$0x2];
	[bflag:$0x3] =	sbarrier.arrive $0xFFFF;
	s2 =	simm.s32 @!p0 $0x1C01  }
0x49: {  	[timem:s3], [sflag:s2] =	dma.local @!p0 [hbm:s0], s1  }
0x4a: {  	s0 =	simm.s32 @!p0 $0x1  }
0x4b: {  	_ =	swait.ge @!p0 [sflag:s0], s1  }
0x4c: {  	s1 =	ssub.s32 @!p0 $0x0, s1;
	[sflag:s0] =	ssyncset.done @!p0 $0x0  }
0x4d: {  	[sflag:s0] =	ssyncadd.s32 @!p0 s1  }
0x4e: {  	[bflag:$0x3] =	sbarrier.arrive $0xFFFF  }
0x4f: {  	_ =	shalt  }

// kernel: kernel.4.cloned.1.call-start
scs
__scs_entry_jumppad:
0x0: {  	(pc) =	sbr.rel $0x88, $3  }
0x1: {  	(tag) =	ssettag $0x0;
	lr =	simm.s32 $0x1  }
0x2: {  	[smem:$0x3F9D] =	sst lr;
	_ =	strace $0xD0000000  }
0x3: {  	_ = 	snop  }
0x4: {  	_ = 	snop  }
0x5: {  	_ = 	snop  }
0x6: {  	_ = 	snop  }
0x7: {  	_ = 	snop  }
__scs_overlays_trampoline_lowered:
0x8: {  	[smem:$0x3FAC] =	sst s0  }
0x9: {  	[smem:$0x3FAD] =	sst s1  }
0xa: {  	[smem:$0x3FAE] =	sst s2  }
0xb: {  	[smem:$0x3FAF] =	sst s3  }
0xc: {  	[smem:$0x3FB0] =	sst s4  }
0xd: {  	[smem:$0x3FB1] =	sst s5  }
0xe: {  	[smem:$0x3FB2] =	sst s6  }
0xf: {  	[smem:$0x3FB3] =	sst s7  }
0x10: {  	[smem:$0x3FB4] =	sst s8  }
0x11: {  	[smem:$0x3FB5] =	sst s9;
	s0 =	simm.s32 @!p0 $0x0  }
0x12: {  	s1 =	sld [smem:$0x3F9B];
	s0 =	simm.s32 @p0 $0x1  }
0x13: {  	[smem:$0x3FB6] =	sst s0;
	s0 =	simm.s32 @!p1 $0x0  }
0x14: {  	s2 =	sld [smem:$0x3F9A];
	s0 =	simm.s32 @p1 $0x1  }
0x15: {  	[smem:$0x3FB7] =	sst s0;
	s0 =	simm.s32 @!p2 $0x0  }
0x16: {  	s3 =	sld [smem:$0x3FDB];
	s0 =	simm.s32 @p2 $0x1  }
0x17: {  	s4 =	simm.s32 $0x1BF5;
	[smem:$0x3FB9] =	sst s0  }
0x18: {  	s0 =	sld [smem:$0x3F9C];
	_ =	swait.ge [sflag:s4], $0x0  }
0x19: {  	s7 =	sld [smem:$0x3F9D]  }
0x1a: {  	s8 =	sadd.s32 $0xFFFFE003, lr  }
0x1b: {  	s9 =	sadd.s32 $0xFFFFFEF7, lr;
	s5 =	simm.s32 $0xFFFFFFFF;
	p2 =	slt.u32 s8, $0xFFFFF086  }
0x1c: {  	p1 =	slt.u32 s9, $0xF7A;
	s5 =	simm.s32 @!p2 $0x0  }
0x1d: {  	s5 =	simm.s32 @p1 $0x1;
	p0 =	seq.s32 s7, s2  }
0x1e: {  	s7 =	smul.u32 @!p0 $0xF7A, s2;
	p2 =	seq.s32 @!p0 s5, $0x0  }
0x1f: {  	s9 =	smul.u32 $0xF7A, s1;
	s8 =	simm.s32 @!p0 $0x1BF5;
	p2 =	por !p2, p0  }
0x20: {  	[sflag:s8] =	ssyncset.s32 @!p0 $0xFFFFF086;
	s6 =	sadd.s32 @!p0 s3, s7;
	s7 =	simm.s32 @!p0 $0x108  }
0x21: {  	s3 =	sadd.s32 s3, s9;
	s6 =	sadd.s32 @!p0 $0x88, s6;
	s7 =	simm.s32 @p2 $0x1082  }
0x22: {  	[simem:s7], [sflag:s8] =	dma.local @!p0 [hbm:s6], $0xF7A  }
0x23: {  	s9 =	sor.u32 $0xD0000000, s2;
	s6 =	simm.s32 $0x108;
	_ =	swait.ge @!p0 [sflag:s8], $0x0  }
0x24: {  	s3 =	sadd.s32 $0x88, s3;
	s6 =	simm.s32 @!p1 $0x1082;
	[sflag:s4] =	ssyncset.s32 $0xFFFFF086  }
0x25: {  	[simem:s6], [sflag:s4] =	dma.local [hbm:s3], $0xF7A  }
0x26: {  	[smem:$0x3F9D] =	sst s1;
	(tag) =	ssettag s2;
	_ =	strace s9  }
0x27: {  	s1 =	sld [smem:$0x3FAD]  }
0x28: {  	s2 =	sld [smem:$0x3FAE]  }
0x29: {  	s4 =	sld [smem:$0x3FB0]  }
0x2a: {  	p0 =	seq.s32 s5, $0x0;
	s5 =	sld [smem:$0x3FB1]  }
0x2b: {  	s6 =	sld [smem:$0x3FB2]  }
0x2c: {  	s7 =	sld [smem:$0x3FB3]  }
0x2d: {  	s3 =	simm.s32 $0x108;
	s8 =	sld [smem:$0x3FB4]  }
0x2e: {  	s3 =	simm.s32 @!p0 $0x1082;
	s9 =	sld [smem:$0x3FB5]  }
0x2f: {  	lr =	sadd.s32 s0, s3;
	s0 =	sld [smem:$0x3FAC]  }
0x30: {  	s3 =	sld [smem:$0x3FAF]  }
0x31: {  	[smem:$0x3FB8] =	sst s10  }
0x32: {  	s10 =	sld [smem:$0x3FB6];
	_ =	sdelay $0x3  }
0x33: {  	p0 =	seq.s32 s10, $0x1;
	s10 =	sld [smem:$0x3FB8];
	_ =	sdelay $0x3  }
0x34: {  	[smem:$0x3FB8] =	sst s10  }
0x35: {  	s10 =	sld [smem:$0x3FB7];
	_ =	sdelay $0x3  }
0x36: {  	p1 =	seq.s32 s10, $0x1;
	s10 =	sld [smem:$0x3FB8];
	_ =	sdelay $0x3  }
0x37: {  	[smem:$0x3FB8] =	sst s10  }
0x38: {  	s10 =	sld [smem:$0x3FB9]  }
0x39: {  	_ = 	snop;
	(pc) =	sbr.ind lr, $3  }
0x3a: {  	_ = 	snop  }
0x3b: {  	_ = 	snop  }
0x3c: {  	p2 =	seq.s32 s10, $0x1;
	s10 =	sld [smem:$0x3FB8]  }
0x3d: {  	_ =	shalt  }
0x3e: {  	_ =	shalt  }
0x3f: {  	_ =	shalt  }
0x40: {  	_ =	shalt  }
0x41: {  	_ =	shalt  }
0x42: {  	_ =	shalt  }
0x43: {  	_ =	shalt  }
0x44: {  	_ =	shalt  }
0x45: {  	_ =	shalt  }
0x46: {  	_ =	shalt  }
0x47: {  	_ =	shalt  }
0x48: {  	_ =	shalt  }
0x49: {  	_ =	shalt  }
0x4a: {  	_ =	shalt  }
0x4b: {  	_ =	shalt  }
0x4c: {  	_ =	shalt  }
0x4d: {  	_ =	shalt  }
0x4e: {  	_ =	shalt  }
0x4f: {  	_ =	shalt  }
0x50: {  	_ =	shalt  }
0x51: {  	_ =	shalt  }
0x52: {  	_ =	shalt  }
0x53: {  	_ =	shalt  }
0x54: {  	_ =	shalt  }
0x55: {  	_ =	shalt  }
0x56: {  	_ =	shalt  }
0x57: {  	_ =	shalt  }
0x58: {  	_ =	shalt  }
0x59: {  	_ =	shalt  }
0x5a: {  	_ =	shalt  }
0x5b: {  	_ =	shalt  }
0x5c: {  	_ =	shalt  }
0x5d: {  	_ =	shalt  }
0x5e: {  	_ =	shalt  }
0x5f: {  	_ =	shalt  }
0x60: {  	_ =	shalt  }
0x61: {  	_ =	shalt  }
0x62: {  	_ =	shalt  }
0x63: {  	_ =	shalt  }
0x64: {  	_ =	shalt  }
0x65: {  	_ =	shalt  }
0x66: {  	_ =	shalt  }
0x67: {  	_ =	shalt  }
0x68: {  	_ =	shalt  }
0x69: {  	_ =	shalt  }
0x6a: {  	_ =	shalt  }
0x6b: {  	_ =	shalt  }
0x6c: {  	_ =	shalt  }
0x6d: {  	_ =	shalt  }
0x6e: {  	_ =	shalt  }
0x6f: {  	_ =	shalt  }
0x70: {  	_ =	shalt  }
0x71: {  	_ =	shalt  }
0x72: {  	_ =	shalt  }
0x73: {  	_ =	shalt  }
0x74: {  	_ =	shalt  }
0x75: {  	_ =	shalt  }
0x76: {  	_ =	shalt  }
0x77: {  	_ =	shalt  }
0x78: {  	_ =	shalt  }
0x79: {  	_ =	shalt  }
0x7a: {  	_ =	shalt  }
0x7b: {  	_ =	shalt  }
0x7c: {  	_ =	shalt  }
0x7d: {  	_ =	shalt  }
0x7e: {  	_ =	shalt  }
0x7f: {  	_ =	shalt  }
0x80: {  	_ =	shalt  }
0x81: {  	_ =	shalt  }
0x82: {  	_ =	shalt  }
0x83: {  	_ =	shalt  }
0x84: {  	_ =	shalt  }
0x85: {  	_ =	shalt  }
0x86: {  	_ =	shalt  }
0x87: {  	_ =	shalt  }
.Lfunc_end0:
.L_simem_size_0:
called_computation.4_lowered:
.L_overlay_start_0:
0x88: {  	s2 =	sld [smem:$0x3FD9]  }
0x89: {  	s3 =	sld [smem:$0x3FFE];
	_ =	sdelay $0x1  }
0x8a: {  	s1 =	srdreg.scid  }
0x8b: {  	s0 =	sand.u32 $0x1, s1  }
0x8c: {  	s17 =	sshll.u32 s0, $0xA;
	s2 =	sadd.s32 s3, s2  }
0x8d: {  	s2 =	sadd.s32 s2, s17  }
0x8e: {  	[smem:$0x3FC4] =	sst s2  }
0x8f: {  	_ = 	snop  }
0x90: {  	s18 =	sld [smem:$0x3FC9];
	(tm) =	ssettm $0x1  }
0x91: {  	s19 =	sld [smem:$0x3FFB];
	_ =	sdelay $0x3  }
0x92: {  	_ =	strace s19  }
0x93: {  	s2 =	sld [smem:$0x3FFC];
	_ =	sdelay $0x3  }
0x94: {  	_ =	strace s2  }
0x95: {  	s2 =	sld [smem:$0x3FFD];
	_ =	sdelay $0x3  }
0x96: {  	_ =	strace s2  }
0x97: {  	_ =	strace $0x8FFFFFFF  }
0x98: {  	s20 =	sld [smem:$0x3FDB];
	_ =	sdelay $0x1  }
0x99: {  	s4 =	simm.s32 $_scs_section_size  }
0x9a: {  	s5 =	simm.s32 $_size__tile_overlayer_lowered;
	s6 =	simm.s32 $_tile_overlayer_lowered  }
0x9b: {  	s7 =	simm.s32 $0x1BFF;
	s21 =	sshll.u32 s6, $0x1;
	s4 =	sadd.s32 s4, s20  }
0x9c: {  	s22 =	simm.s32 $0x0;
	s5 =	sshll.u32 s5, $0x1;
	s6 =	sadd.s32 s21, s4  }
0x9d: {  	[timem:s22], [sflag:s7] =	dma.local [hbm:s6], s5  }
0x9e: {  	_ =	swait.ge [sflag:s7], s5  }
0x9f: {  	s5 =	ssub.s32 $0x0, s5;
	[sflag:s7] =	ssyncset.done $0x0  }
0xa0: {  	[sflag:s7] =	ssyncadd.s32 s5;
	_ =	sdelay $0x1  }
0xa1: {  	s23 =	simm.s32 $0x1B8B  }
0xa2: {  	_ =	swait.ge [sflag:s23], $0x1  }
0xa3: {  	[sflag:s23] =	ssyncset.done $0x0  }
0xa4: {  	[sflag:s23] =	ssyncadd.s32 $0xFFFFFFFF  }
0xa5: {  	s5 =	sld [smem:$0x0]  }
0xa6: {  	s6 =	sand.u32 $0xFFFFFFFE, s1  }
0xa7: {  	p0 =	sne.s32 s1, s6  }
0xa8: {  	s6 =	sshll.u32 @p0 s6, $0xE  }
0xa9: {  	s6 =	sadd.s32 @p0 $0x11B8D, s6;
	s7 =	sshll.u32 @p0 s5, $0x11  }
0xaa: {  	s6 =	sor.u32 @p0 s7, s6  }
0xab: {  	[sflag:s6] =	ssyncadd.remote.s32 @p0 $0x1;
	_ =	sdelay $0x1  }
0xac: {  	s6 =	simm.s32 @p0 $0x1B8D  }
0xad: {  	_ =	swait.eq @p0 [sflag:s6], $0x1  }
0xae: {  	[sflag:s6] =	ssyncadd.s32 @p0 $0xFFFFFFFF  }
0xaf: {  	s7 =	sshll.u32 @!p0 s1, $0xE  }
0xb0: {  	s7 =	sor.u32 @!p0 $0x4000, s7;
	s6 =	simm.s32 @!p0 $0x1B8D  }
0xb1: {  	s5 =	sshll.u32 @!p0 s5, $0x11;
	s7 =	sadd.s32 @!p0 $0x11B8D, s7;
	_ =	swait.eq @!p0 [sflag:s6], $0x1  }
0xb2: {  	s5 =	sor.u32 @!p0 s5, s7;
	[sflag:s6] =	ssyncadd.s32 @!p0 $0xFFFFFFFF  }
0xb3: {  	s25 =	simm.s32 $0x1B8E;
	s24 =	sld [smem:$0x3FFE];
	[sflag:s5] =	ssyncadd.remote.s32 @!p0 $0x1  }
0xb4: {  	s26 =	simm.s32 $execute0_lowered;
	[smem:$0x3FD2] =	sst s25  }
0xb5: {  	s6 =	sshll.u32 s26, $0x1;
	_ =	strace $0x8000004F;
	[dreg:$0x1] =	wrdreg $0xFFFFFFFF  }
0xb6: {  	s28 =	simm.s32 $_size_execute0_lowered;
	s4 =	sadd.s32 s4, s6;
	[dreg:$0x0] =	wrdreg $0x0  }
0xb7: {  	s6 =	sshll.u32 s28, $0x1;
	[dreg:$0x2] =	wrdreg s4  }
0xb8: {  	[dreg:$0x3] =	wrdreg s6  }
0xb9: {  	[dreg:$0x4] =	wrdreg $0xC0  }
0xba: {  	_ =	task [dreg:s22], $0x5FFFF  }
0xbb: {  	[dreg:$0x1] =	wrdreg $0xFFFFFFFF  }
0xbc: {  	[dreg:$0x0] =	wrdreg $0x60  }
0xbd: {  	[dreg:$0x2] =	wrdreg s18  }
0xbe: {  	[dreg:$0x3] =	wrdreg s24  }
0xbf: {  	[dreg:$0x4] =	wrdreg $0xA  }
0xc0: {  	_ =	task.clear_ibuf [dreg:s22], $0x5FFFF;
	_ =	strace $0x9000004F  }
0xc1: {  	s29 =	simm.s32 $0xA;
	_ =	strace $0x80000051  }
0xc2: {  	_ =	swait.ge [sflag:s29], $0x1  }
0xc3: {  	[sflag:s29] =	ssyncadd.s32 $0xFFFFFFFF  }
0xc4: {  	_ =	strace $0x90000051  }
0xc5: {  	_ =	sfence  }
0xc6: {  	s30 =	sld [smem:$0x0];
	_ =	sdelay $0x2  }
0xc7: {  	s31 =	sshll.u32 s1, $0xD;
	s1 =	sshrl.u32 s1, $0x2  }
0xc8: {  	s4 =	sand.u32 $0x4000, s31;
	s1 =	sadd.s32 s1, s30  }
0xc9: {  	s0 =	sor.u32 s4, s0;
	s1 =	sshll.u32 s1, $0x11  }
0xca: {  	s0 =	sor.u32 s1, s0  }
0xcb: {  	s0 =	sadd.s32 $0x8F2B, s0  }
0xcc: {  	[sflag:s0] =	ssyncadd.remote.s32 $0x1  }
0xcd: {  	_ =	sfence.sel $0xFFFF  }
0xce: {  	[dreg:$0x0] =	wrdreg $0xFFFFFFFF;
	(pc) =	sbr.abs _section_cstart, $3  }
0xcf: {  	[dreg:$0x1] =	wrdreg $0xFFFFFFFF  }
0xd0: {  	_ =	task.clear_ibuf [dreg:s22], $0x2FFFF;
	_ =	strace $0x9FFFFFFF  }
0xd1: {  	(tm) =	ssettm $0x7FFFFFFF  }
tec
execute0_lowered:
.L_overlay_start_1:
0x0: {  	(tag) =	ssettag $0x1  }
0x1: {  	s1 =	srdreg.scid  }
0x2: {  	s2 =	rddreg [dreg:$0x0];
	s0 =	stileid.u32;
	s14 =	sand.u32 $0x1, s1  }
0x3: {  	s15 =	rddreg [dreg:$0x1];
	s4 =	sshll.u32 s0, $0xA;
	s5 =	sshll.u32 s14, $0x9  }
0x4: {  	s3 =	simm.s32 $0x0;
	s1 =	rddreg [dreg:$0x2];
	s16 =	sor.u32 s5, s4  }
0x5: {  	[smem:$0x7FF] =	sst s3;
	s4 =	sshrl.u32 s16, $0x3  }
0x6: {  	_ =	strace $0x80000050;
	s5 =	sadd.s32 s15, s4;
	s4 =	simm.s32 $0x2  }
0x7: {  	[tilespmem:s3], [sflag:$0x2] =	stream.linear.gather [hbm4b:s5+s3], $0x200, $0x38;
	[tilespmem:$0x10200] =	vst v63  }
0x8: {  	_ =	swait.ge [sflag:s4], $0x200  }
0x9: {  	[sflag:s4] =	ssyncset.done $0x0  }
0xa: {  	s6 =	simm.s32 $0x80;
	s7 =	simm.s32 $0x200;
	[sflag:s4] =	ssyncadd.s32 $0xFFFFFE00  }
0xb: {  	[tilespmem:s7], [sflag:$0x1] =	stream.indirect.gather [hbm4b:s2+s6], $0x80, s3, s6, $0xb8;
	[tilespmem:$0x10200] =	vst v63  }
0xc: {  	s8 =	simm.s32 $0x4200  }
0xd: {  	[tilespmem:s8], [sflag:$0x1] =	stream.indirect.gather [hbm4b:s2+s6], $0x80, s6, s6, $0xb8;
	[tilespmem:$0x10200] =	vst v63  }
0xe: {  	s9 =	simm.s32 $0x100;
	s10 =	simm.s32 $0x8200  }
0xf: {  	[tilespmem:s10], [sflag:$0x1] =	stream.indirect.gather [hbm4b:s2+s6], $0x80, s9, s6, $0xb8;
	[tilespmem:$0x10200] =	vst v63  }
0x10: {  	s11 =	simm.s32 $0x180;
	s12 =	simm.s32 $0xC200;
	s13 =	simm.s32 $0x1  }
0x11: {  	[tilespmem:s12], [sflag:$0x1] =	stream.indirect.gather [hbm4b:s2+s6], $0x80, s11, s6, $0xb8;
	[tilespmem:$0x10200] =	vst v63  }
0x12: {  	_ =	swait.ge [sflag:s13], $0x4000  }
0x13: {  	[sflag:s13] =	ssyncset.done $0x0  }
0x14: {  	[sflag:s13] =	ssyncadd.s32 $0xFFFFC000  }
0x15: {  	_ =	swait.ge [sflag:s13], $0x4000  }
0x16: {  	[sflag:s13] =	ssyncset.done $0x0  }
0x17: {  	s14 =	ssub.s32 $0x2, s14;
	[sflag:s13] =	ssyncadd.s32 $0xFFFFC000  }
0x18: {  	s17 =	sshrl.u32 s14, $0x1;
	_ =	swait.ge [sflag:s13], $0x4000  }
0x19: {  	s30 =	ssub.s32 s14, s17;
	[sflag:s13] =	ssyncset.done $0x0  }
0x1a: {  	s31 =	smax.u32 s30, $0x1;
	[sflag:s13] =	ssyncadd.s32 $0xFFFFC000  }
0x1b: {  	s16 =	sshll.u32 s16, $0x4;
	p0 =	sne.s32 s31, $0x1;
	_ =	swait.ge [sflag:s13], $0x4000  }
.Ltmp0:
0x1c: {  	s15 =	sadd.s32 s16, s15;
	[sflag:s13] =	ssyncset.done $0x0;
	(pc) =	sbr.rel @!p0 .LBB2_2-.Ltmp0, $4  }
0x1d: {  	s14 =	sadd.s32 $0xC00, s15;
	[sflag:s13] =	ssyncadd.s32 $0xFFFFC000  }
0x1e: {  	[hbm4b:s14+s3] =	stream.linear.scatter [tilespmem:s7], [sflag:$0x2], $0x10000, $0x38;
	[tilespmem:$0x10200] =	vst v63  }
0x1f: {  	_ =	swait.ge [sflag:s4], $0x10000  }
0x20: {  	s15 =	sadd.s32 $0xFFFFFFFF, s31;
	[sflag:s4] =	ssyncset.done $0x0  }
.LBB2_1:
0x21: {  	p0 =	sne.s32 s15, $0x1;
	s15 =	sadd.s32 $0xFFFFFFFF, s15;
	[sflag:s4] =	ssyncadd.s32 $0xFFFF0000  }
0x22: {  	[tilespmem:s3], [sflag:$0x2] =	stream.linear.gather [hbm4b:s5+s3], $0x200, $0x38;
	[tilespmem:$0x10200] =	vst v63  }
0x23: {  	_ =	swait.ge [sflag:s4], $0x200  }
0x24: {  	[sflag:s4] =	ssyncset.done $0x0  }
0x25: {  	[sflag:s4] =	ssyncadd.s32 $0xFFFFFE00  }
0x26: {  	[tilespmem:s7], [sflag:$0x1] =	stream.indirect.gather [hbm4b:s2+s6], $0x80, s3, s6, $0xb8;
	[tilespmem:$0x10200] =	vst v63  }
0x27: {  	_ = 	snop  }
0x28: {  	[tilespmem:s8], [sflag:$0x1] =	stream.indirect.gather [hbm4b:s2+s6], $0x80, s6, s6, $0xb8;
	[tilespmem:$0x10200] =	vst v63  }
0x29: {  	_ = 	snop  }
0x2a: {  	[tilespmem:s10], [sflag:$0x1] =	stream.indirect.gather [hbm4b:s2+s6], $0x80, s9, s6, $0xb8;
	[tilespmem:$0x10200] =	vst v63  }
0x2b: {  	_ = 	snop  }
0x2c: {  	[tilespmem:s12], [sflag:$0x1] =	stream.indirect.gather [hbm4b:s2+s6], $0x80, s11, s6, $0xb8;
	[tilespmem:$0x10200] =	vst v63  }
0x2d: {  	_ =	swait.ge [sflag:s13], $0x4000  }
0x2e: {  	[sflag:s13] =	ssyncset.done $0x0  }
0x2f: {  	[sflag:s13] =	ssyncadd.s32 $0xFFFFC000  }
0x30: {  	_ =	swait.ge [sflag:s13], $0x4000  }
0x31: {  	[sflag:s13] =	ssyncset.done $0x0  }
0x32: {  	[sflag:s13] =	ssyncadd.s32 $0xFFFFC000  }
0x33: {  	_ =	swait.ge [sflag:s13], $0x4000  }
0x34: {  	[sflag:s13] =	ssyncset.done $0x0  }
0x35: {  	[sflag:s13] =	ssyncadd.s32 $0xFFFFC000  }
0x36: {  	_ =	swait.ge [sflag:s13], $0x4000  }
.Ltmp1:
0x37: {  	[sflag:s13] =	ssyncset.done $0x0;
	(pc) =	sbr.rel @p0 .LBB2_1-.Ltmp1, $4  }
0x38: {  	[sflag:s13] =	ssyncadd.s32 $0xFFFFC000  }
0x39: {  	[hbm4b:s14+s3] =	stream.linear.scatter [tilespmem:s7], [sflag:$0x2], $0x10000, $0x38;
	[tilespmem:$0x10200] =	vst v63  }
0x3a: {  	_ =	swait.ge [sflag:s4], $0x10000  }
0x3b: {  	[sflag:s4] =	ssyncset.done $0x0  }
.LBB2_2:
0x3c: {  	[sflag:s4] =	ssyncadd.s32 $0xFFFF0000  }
0x3d: {  	_ =	sfence.sel $0x180000  }
0x3e: {  	[bflag:$0x0] =	sbarrier.arrive $0xFFFF  }
0x3f: {  	p0 =	sne.s32 s0, $0x0;
	_ =	strace $0x90000050  }
0x40: {  	s0 =	sadd.s32 @!p0 $0x100000, s1;
	[bflag:$0x2] =	sbarrier.arrive $0xFFFF  }
0x41: {  	[sflag:s0] =	ssyncadd.tile.s32 @!p0 $0x1;
	_ =	shalt  }
.Lfunc_end2:
_tile_overlayer_lowered:
.L_overlay_start_2:
0x42: {  	(tag) =	ssettag $0x2  }
0x43: {  	s0 =	rddreg [dreg:$0x0];
	s2 =	stileid.u32  }
0x44: {  	s1 =	rddreg [dreg:$0x1];
	p0 =	sne.s32 s2, $0x0  }
0x45: {  	s3 =	rddreg [dreg:$0x2];
	[bflag:$0x3] =	sbarrier.arrive $0xFFFF;
	s2 =	simm.s32 @!p0 $0x1C02  }
0x46: {  	[timem:s3], [sflag:s2] =	dma.local @!p0 [hbm:s0], s1  }
0x47: {  	s0 =	simm.s32 @!p0 $0x2  }
0x48: {  	_ =	swait.ge @!p0 [sflag:s0], s1  }
0x49: {  	s1 =	ssub.s32 @!p0 $0x0, s1;
	[sflag:s0] =	ssyncset.done @!p0 $0x0  }
0x4a: {  	[sflag:s0] =	ssyncadd.s32 @!p0 s1  }
0x4b: {  	[bflag:$0x3] =	sbarrier.arrive $0xFFFF  }
0x4c: {  	_ =	shalt  }

</sc_bundles>
